<compile_context>
chip_gen: v7x
topology: tpu7x:2x2x1
jax: 0.10.2.dev20260603
libtpu: 0.0.44.dev20260713+nightly
codegen_flags: <defaults>
</compile_context>

<pallas_src>
import functools

import jax
import jax.numpy as jnp
from jax import lax
from jax.experimental import pallas as pl
from jax.experimental.pallas import tpu as pltpu
from jax.experimental.pallas import tpu_sc as plsc

N_NODES = 10000
N_PAD = 10240
N_EDGES = 320000
D = 128
N_CLASSES = 10

NC, NS = 2, 16
NW = NC * NS
EPT = 10080
E_PAD = NW * EPT
CHUNK = 112
NCHUNK = EPT // CHUNK
NPH = 1
EPT_H = EPT // NPH
HCH = NCHUNK // NPH
RPT = N_PAD // NS

_mesh = plsc.VectorSubcoreMesh(core_axis_name="c", subcore_axis_name="s")


@functools.partial(
    pl.kernel,
    mesh=_mesh,
    out_type=jax.ShapeDtypeStruct((NC * N_PAD, 16), jnp.float32),
    scratch_types=[
        pltpu.VMEM((EPT,), jnp.int32),
        pltpu.VMEM((CHUNK, 16), jnp.float32),
        pltpu.VMEM_SHARED((N_PAD, 16), jnp.float32),
        pltpu.SemaphoreType.DMA,
        pltpu.SemaphoreType.DMA,
    ],
)
def _deg_kernel(dst_hbm, zeros_hbm, out_hbm, dsti, ones_buf, acc, s0, s1):
    ssem = [s0, s1]
    c = lax.axis_index("c")
    s = lax.axis_index("s")
    wid = c * NS + s
    e0 = jnp.where(lax.iota(jnp.int32, 16) == 0, 1.0, 0.0)

    def fill(i, carry):
        ones_buf[i, :] = e0
        return carry

    lax.fori_loop(0, CHUNK, fill, 0)

    def isc(g, b):
        pltpu.async_copy(
            ones_buf, acc.at[dsti.at[pl.ds(g * CHUNK, CHUNK)]],
            ssem[b], add=True)

    def ws(b):
        pltpu.make_async_copy(
            ones_buf, acc.at[dsti.at[pl.ds(0, CHUNK)]], ssem[b]).wait()

    base = pl.multiple_of(wid * EPT, 8)
    pltpu.sync_copy(dst_hbm.at[pl.ds(base, EPT)], dsti)
    pltpu.sync_copy(zeros_hbm, acc.at[pl.ds(s * RPT, RPT)])
    plsc.subcore_barrier()

    isc(0, 0)

    def pair(k, carry):
        t = 2 * k + 1
        isc(t, 1)
        ws(0)
        isc(t + 1, 0)
        ws(1)
        return carry

    lax.fori_loop(0, (NCHUNK - 2) // 2, pair, 0)
    isc(NCHUNK - 1, 1)
    ws(0)
    ws(1)
    plsc.subcore_barrier()
    pltpu.sync_copy(acc.at[pl.ds(s * RPT, RPT)],
                    out_hbm.at[pl.ds(c * N_PAD + s * RPT, RPT)])


@functools.partial(
    pl.kernel,
    mesh=_mesh,
    out_type=jax.ShapeDtypeStruct((NC * N_PAD, D), jnp.float32),
    scratch_types=[
        pltpu.VMEM((EPT_H,), jnp.int32),
        pltpu.VMEM((EPT_H,), jnp.int32),
        pltpu.VMEM((CHUNK, D), jnp.float32),
        pltpu.VMEM((CHUNK, D), jnp.float32),
        pltpu.VMEM_SHARED((N_PAD, D), jnp.float32),
        pltpu.SemaphoreType.DMA,
        pltpu.SemaphoreType.DMA,
        pltpu.SemaphoreType.DMA,
        pltpu.SemaphoreType.DMA,
    ],
)
def _edge_kernel(hn_hbm, src_hbm, dst_hbm, zeros_hbm, out_hbm,
                 srci, dsti, r0, r1, acc, g0, g1, s0, s1):
    rows = [r0, r1]
    gsem = [g0, g1]
    ssem = [s0, s1]
    c = lax.axis_index("c")
    s = lax.axis_index("s")
    wid = c * NS + s

    def ig(g, b):
        pltpu.async_copy(
            hn_hbm.at[srci.at[pl.ds(g * CHUNK, CHUNK)]], rows[b], gsem[b])

    def wg(b):
        pltpu.make_async_copy(
            hn_hbm.at[srci.at[pl.ds(0, CHUNK)]], rows[b], gsem[b]).wait()

    def isc(g, b):
        pltpu.async_copy(
            rows[b], acc.at[dsti.at[pl.ds(g * CHUNK, CHUNK)]],
            ssem[b], add=True)

    def ws(b):
        pltpu.make_async_copy(
            rows[b], acc.at[dsti.at[pl.ds(0, CHUNK)]], ssem[b]).wait()

    pltpu.sync_copy(zeros_hbm, acc.at[pl.ds(s * RPT, RPT)])
    plsc.subcore_barrier()

    def phase(p, carry):
        base = pl.multiple_of(wid * EPT + p * EPT_H, 8)
        pltpu.sync_copy(src_hbm.at[pl.ds(base, EPT_H)], srci)
        pltpu.sync_copy(dst_hbm.at[pl.ds(base, EPT_H)], dsti)
        ig(0, 0)
        wg(0)
        ig(1, 1)
        isc(0, 0)

        def pair(k, c2):
            t = 2 * k + 1
            wg(1); ws(0); ig(t + 1, 0); isc(t, 1)
            wg(0); ws(1); ig(t + 2, 1); isc(t + 1, 0)
            return c2

        lax.fori_loop(0, (HCH - 4) // 2, pair, 0)
        wg(1); ws(0); ig(HCH - 2, 0); isc(HCH - 3, 1)
        wg(0); ws(1); ig(HCH - 1, 1); isc(HCH - 2, 0)
        wg(1); ws(0); isc(HCH - 1, 1)
        ws(1)
        return carry

    lax.fori_loop(0, NPH, phase, 0)
    plsc.subcore_barrier()
    pltpu.sync_copy(acc.at[pl.ds(s * RPT, RPT)],
                    out_hbm.at[pl.ds(c * N_PAD + s * RPT, RPT)])


def _mm1_body(x_ref, degp_ref, w_ref, o_ref):
    dp = degp_ref[...]
    deg = jnp.sum(dp[0] + dp[1], axis=1, keepdims=True) + 1.0
    nrm = lax.rsqrt(deg)
    h = jnp.dot(x_ref[...], w_ref[...], preferred_element_type=jnp.float32)
    o_ref[...] = h * nrm


def _mm1(x_pad, deg_parts, W1):
    blk = 1024
    grid = N_PAD // blk
    return pl.pallas_call(
        _mm1_body,
        grid=(grid,),
        in_specs=[
            pl.BlockSpec((blk, D), lambda i: (i, 0)),
            pl.BlockSpec((2, blk, 16), lambda i: (0, i, 0)),
            pl.BlockSpec((D, D), lambda i: (0, 0)),
        ],
        out_specs=pl.BlockSpec((blk, D), lambda i: (i, 0)),
        out_shape=jax.ShapeDtypeStruct((N_PAD, D), jnp.float32),
    )(x_pad, deg_parts, W1)


def _mm2_body(parts_ref, hn_ref, degp_ref, b_ref, w_ref, o_ref):
    dp = degp_ref[...]
    deg = jnp.sum(dp[0] + dp[1], axis=1, keepdims=True) + 1.0
    nrm = lax.rsqrt(deg)
    agg = parts_ref[0] + parts_ref[1] + hn_ref[...]
    g = jnp.maximum(agg * nrm + b_ref[...], 0.0)
    h = jnp.dot(g, w_ref[...], preferred_element_type=jnp.float32)
    o_ref[...] = h * nrm


def _mm2(parts, hn, deg_parts, b, W):
    blk = 1024
    grid = N_PAD // blk
    return pl.pallas_call(
        _mm2_body,
        grid=(grid,),
        in_specs=[
            pl.BlockSpec((2, blk, D), lambda i: (0, i, 0)),
            pl.BlockSpec((blk, D), lambda i: (i, 0)),
            pl.BlockSpec((2, blk, 16), lambda i: (0, i, 0)),
            pl.BlockSpec((1, D), lambda i: (0, 0)),
            pl.BlockSpec((D, D), lambda i: (0, 0)),
        ],
        out_specs=pl.BlockSpec((blk, D), lambda i: (i, 0)),
        out_shape=jax.ShapeDtypeStruct((N_PAD, D), jnp.float32),
    )(parts, hn, deg_parts, b, W)


def _fin_body(parts_ref, hn_ref, degp_ref, b_ref, wc_ref, bc_ref, o_ref):
    i = pl.program_id(0)
    blk = parts_ref.shape[1]
    dp = degp_ref[...]
    deg = jnp.sum(dp[0] + dp[1], axis=1, keepdims=True) + 1.0
    nrm = lax.rsqrt(deg)
    agg = parts_ref[0] + parts_ref[1] + hn_ref[...]
    g = jnp.maximum(agg * nrm + b_ref[...], 0.0)
    rows = lax.broadcasted_iota(jnp.int32, (blk, D), 0) + i * blk
    g = jnp.where(rows < N_NODES, g, 0.0)
    colsum = jnp.sum(g, axis=0, keepdims=True) * (1.0 / N_NODES)

    @pl.when(i == 0)
    def _():
        o_ref[...] = bc_ref[...]

    o_ref[...] += jnp.dot(colsum, wc_ref[...],
                          preferred_element_type=jnp.float32)


def _fin(parts, hn, deg_parts, b, Wc, bc):
    blk = 1024
    grid = N_PAD // blk
    return pl.pallas_call(
        _fin_body,
        grid=(grid,),
        in_specs=[
            pl.BlockSpec((2, blk, D), lambda i: (0, i, 0)),
            pl.BlockSpec((blk, D), lambda i: (i, 0)),
            pl.BlockSpec((2, blk, 16), lambda i: (0, i, 0)),
            pl.BlockSpec((1, D), lambda i: (0, 0)),
            pl.BlockSpec((D, N_CLASSES), lambda i: (0, 0)),
            pl.BlockSpec((1, N_CLASSES), lambda i: (0, 0)),
        ],
        out_specs=pl.BlockSpec((1, N_CLASSES), lambda i: (0, 0)),
        out_shape=jax.ShapeDtypeStruct((1, N_CLASSES), jnp.float32),
    )(parts, hn, deg_parts, b, Wc, bc)


@jax.jit
def kernel(x, edge_index, W1, b1, W2, b2, Wc, bc):
    epad = jnp.full((E_PAD - N_EDGES,), N_NODES, jnp.int32)
    src = jnp.concatenate([edge_index[0].astype(jnp.int32), epad])
    dst = jnp.concatenate([edge_index[1].astype(jnp.int32), epad])
    x_pad = jnp.pad(x, ((0, N_PAD - N_NODES), (0, 0)))
    zeros = jnp.zeros((RPT, D), jnp.float32)
    zeros16 = jnp.zeros((RPT, 16), jnp.float32)
    b1r = b1.reshape(1, D)
    b2r = b2.reshape(1, D)
    bcr = bc.reshape(1, N_CLASSES)

    deg_parts = _deg_kernel(dst, zeros16).reshape(NC, N_PAD, 16)
    hn1 = _mm1(x_pad, deg_parts, W1)
    parts1 = _edge_kernel(hn1, src, dst, zeros).reshape(NC, N_PAD, D)
    hn2 = _mm2(parts1, hn1, deg_parts, b1r, W2)
    parts2 = _edge_kernel(hn2, src, dst, zeros).reshape(NC, N_PAD, D)
    return _fin(parts2, hn2, deg_parts, b2r, Wc, bcr)

# --- scband reference (transcript-rebuilt; emitter-appended) ---
"""Pipeline reference for scband-gcnclassifier-11441792877137 (READ-ONLY COPY).

The authoritative reference and input builder live on the scoring server;
editing this copy changes nothing except your own understanding.
"""

import jax, jax.numpy as jnp
import numpy as np

N_NODES = 10000
N_EDGES = 320000
IN_DIM = 128
HIDDEN_DIM = 128
N_CLASSES = 10


def setup_inputs(seed: int = 0) -> dict:
    key = jax.random.key(seed)
    k_x, k_e, k_w1, k_b1, k_w2, k_b2, k_wc, k_bc = jax.random.split(key, 8)
    x = jax.random.normal(k_x, (N_NODES, IN_DIM), dtype=jnp.float32)
    edge_index = jax.random.randint(k_e, (2, N_EDGES), 0, N_NODES, dtype=jnp.int64)
    s1 = 1.0 / np.sqrt(IN_DIM)
    s2 = 1.0 / np.sqrt(HIDDEN_DIM)
    W1 = jax.random.uniform(k_w1, (IN_DIM, HIDDEN_DIM), dtype=jnp.float32, minval=-s1, maxval=s1)
    b1 = jnp.zeros((HIDDEN_DIM,), dtype=jnp.float32)
    W2 = jax.random.uniform(k_w2, (HIDDEN_DIM, HIDDEN_DIM), dtype=jnp.float32, minval=-s2, maxval=s2)
    b2 = jnp.zeros((HIDDEN_DIM,), dtype=jnp.float32)
    Wc = jax.random.uniform(k_wc, (HIDDEN_DIM, N_CLASSES), dtype=jnp.float32, minval=-s2, maxval=s2)
    bc = jnp.zeros((N_CLASSES,), dtype=jnp.float32)
    return {"x": x, "edge_index": edge_index, "W1": W1, "b1": b1, "W2": W2, "b2": b2, "Wc": Wc, "bc": bc}


def reference(x, edge_index, W1, b1, W2, b2, Wc, bc):
    N = x.shape[0]
    # dgl.add_self_loop(g)
    loop = jnp.arange(N, dtype=edge_index.dtype)
    src = jnp.concatenate([edge_index[0], loop])
    dst = jnp.concatenate([edge_index[1], loop])
    # GraphConv norm='both': D^{-1/2} A D^{-1/2} X W + b (in-degree, self-loops included)
    deg = jnp.zeros((N,), dtype=jnp.float32).at[dst].add(1.0)
    norm = jnp.where(deg > 0, deg ** -0.5, 0.0)

    def gcn_conv(h, W, b):
        h = h @ W
        msg = h[src] * norm[src][:, None]
        agg = jnp.zeros_like(h).at[dst].add(msg)
        return agg * norm[:, None] + b

    h = jax.nn.relu(gcn_conv(x, W1, b1))
    h = jax.nn.relu(gcn_conv(h, W2, b2))
    # dgl.mean_nodes over the single graph in the batch -> [1, hidden]
    hg = jnp.mean(h, axis=0, keepdims=True)
    return hg @ Wc + bc

if __name__ == "__main__":
    import jax
    _d = setup_inputs()
    print(jax.jit(kernel)(*tuple(_d.values())))

</pallas_src>

<mosaic_0001>
#map = affine_map<(d0, d1) -> (0)>
#map1 = affine_map<(d0, d1) -> (0, 0)>
module attributes {stable_mosaic.version = 14 : i64} {
  func.func @_deg_kernel(%arg0: i32, %arg1: i32, %arg2: memref<322560xi32, #tpu.memory_space<hbm>>, %arg3: memref<640x16xf32, #tpu.memory_space<hbm>>, %arg4: memref<20480x16xf32, #tpu.memory_space<hbm>>, %arg5: memref<10080xi32, #tpu.memory_space<vmem>>, %arg6: memref<112x16xf32, #tpu.memory_space<vmem>>, %arg7: memref<10240x16xf32, #tpu.memory_space<vmem_shared>>, %arg8: memref<!tpu.dma_semaphore, #tpu.memory_space<semaphore_mem>>, %arg9: memref<!tpu.dma_semaphore, #tpu.memory_space<semaphore_mem>>) attributes {dimension_semantics = [#tpu.dimension_semantics<core_parallel>, #tpu.dimension_semantics<subcore_parallel>], iteration_bounds = array<i64: 2, 16>, scalar_prefetch = 0 : i64, scratch_operands = 5 : i64, tpu.core_type = #tpu.core_type<sc_vector_subcore>, window_params = [{transform_indices = #map}, {transform_indices = #map1}, {transform_indices = #map1}]} {
    %mul3A = arith.constant 16 : i32
    %mul3A_0 = arith.muli %arg0, %mul3A : i32
    %add3A = arith.addi %mul3A_0, %arg1 : i32
    %iota3A = tpu.iota {dimensions = array<i32: 0>} : vector<16xi32>
    %eq3A = arith.constant 0 : i32
    %eq3A_1 = vector.broadcast %eq3A : i32 to vector<16xi32>
    %eq3A_2 = arith.cmpi eq, %iota3A, %eq3A_1 : vector<16xi32>
    %jit3A = arith.constant 1.000000e+00 : f32
    %jit3A_3 = arith.constant 0.000000e+00 : f32
    %broadcast_in_dim3A = vector.broadcast %jit3A : f32 to vector<16xf32>
    %broadcast_in_dim3A_4 = vector.broadcast %jit3A_3 : f32 to vector<16xf32>
    %select_n3A = arith.select %eq3A_2, %broadcast_in_dim3A, %broadcast_in_dim3A_4 : vector<16xi1>, vector<16xf32>
    %scan3A = arith.constant 0 : i32
    %scan3A_5 = arith.constant 0 : i32
    %scan3A_6 = arith.constant 112 : i32
    %scan3A_7 = arith.addi %scan3A_5, %scan3A_6 : i32
    %scan3A_8 = arith.constant 1 : i32
    scf.for %scan3A_46 = %scan3A_5 to %scan3A_7 step %scan3A_8  : i32 {
      %swap3A = arith.index_cast %scan3A_46 : i32 to index
      %swap3A_47 = arith.constant 0 : index
      %swap3A_48 = tpu.vector_load %arg6[%swap3A, %swap3A_47] {strides = array<i32>} : memref<112x16xf32, #tpu.memory_space<vmem>>, vector<1x16xf32>,
      %swap3A_49 = vector.shape_cast %swap3A_48 : vector<1x16xf32> to vector<16xf32>
      %swap3A_50 = vector.shape_cast %select_n3A : vector<16xf32> to vector<1x16xf32>
      tpu.vector_store %arg6[%swap3A, %swap3A_47], %swap3A_50 {strides = array<i32>} : memref<112x16xf32, #tpu.memory_space<vmem>>, vector<1x16xf32>,
    }
    %scan3A_9 = arith.constant 112 : i32
    %mul3A_10 = arith.constant 10080 : i32
    %mul3A_11 = arith.muli %add3A, %mul3A_10 : i32
    %multiple_of3A = tpu.assume_multiple %mul3A_11, 8 : i32
    "tpu.region"() ({
      %run_scoped3A = tpu.sem_alloc : memref<!tpu.dma_semaphore, #tpu.memory_space<semaphore_mem>>
      %dma_start3A_46 = tpu.memref_slice %arg2[%multiple_of3A] : memref<322560xi32, #tpu.memory_space<hbm>> -> memref<10080xi32, #tpu.memory_space<hbm>>
      %dma_start3A_47 = tpu.memref_slice %arg2[%multiple_of3A] : memref<322560xi32, #tpu.memory_space<hbm>> -> memref<10080xi32, #tpu.memory_space<hbm>>
      tpu.enqueue_dma source(%dma_start3A_47 : memref<10080xi32, #tpu.memory_space<hbm>>) target(%arg5 : memref<10080xi32, #tpu.memory_space<vmem>>) target_semaphore(%run_scoped3A : memref<!tpu.dma_semaphore, #tpu.memory_space<semaphore_mem>>)
      %dma_wait3A_48 = tpu.memref_slice %arg2[%multiple_of3A] : memref<322560xi32, #tpu.memory_space<hbm>> -> memref<10080xi32, #tpu.memory_space<hbm>>
      %dma_wait3A_49 = tpu.memref_slice %arg2[%multiple_of3A] : memref<322560xi32, #tpu.memory_space<hbm>> -> memref<10080xi32, #tpu.memory_space<hbm>>
      tpu.wait_dma2 semaphore(%run_scoped3A : memref<!tpu.dma_semaphore, #tpu.memory_space<semaphore_mem>>) src(%dma_wait3A_49 : memref<10080xi32, #tpu.memory_space<hbm>>) dst(%arg5 : memref<10080xi32, #tpu.memory_space<vmem>>)
      tpu.yield
    }) : () -> ()
    %mul3A_12 = arith.constant 640 : i32
    %mul3A_13 = arith.muli %arg1, %mul3A_12 : i32
    "tpu.region"() ({
      %run_scoped3A = tpu.sem_alloc : memref<!tpu.dma_semaphore, #tpu.memory_space<semaphore_mem>>
      %dma_start3A_46 = arith.constant 0 : i32
      %dma_start3A_47 = tpu.memref_slice %arg7[%mul3A_13, %dma_start3A_46] : memref<10240x16xf32, #tpu.memory_space<vmem_shared>> -> memref<640x16xf32, #tpu.memory_space<vmem_shared>>
      tpu.enqueue_dma source(%arg3 : memref<640x16xf32, #tpu.memory_space<hbm>>) target(%dma_start3A_47 : memref<640x16xf32, #tpu.memory_space<vmem_shared>>) target_semaphore(%run_scoped3A : memref<!tpu.dma_semaphore, #tpu.memory_space<semaphore_mem>>)
      %dma_wait3A_48 = arith.constant 0 : i32
      %dma_wait3A_49 = tpu.memref_slice %arg7[%mul3A_13, %dma_wait3A_48] : memref<10240x16xf32, #tpu.memory_space<vmem_shared>> -> memref<640x16xf32, #tpu.memory_space<vmem_shared>>
      tpu.wait_dma2 semaphore(%run_scoped3A : memref<!tpu.dma_semaphore, #tpu.memory_space<semaphore_mem>>) src(%arg3 : memref<640x16xf32, #tpu.memory_space<hbm>>) dst(%dma_wait3A_49 : memref<640x16xf32, #tpu.memory_space<vmem_shared>>)
      tpu.yield
    }) : () -> ()
    %barrier3A = arith.constant 0 : index
    tpu.barrier barrier_id(%barrier3A)
    %dma_start3A = arith.constant 0 : i32
    %dma_start3A_14 = tpu.memref_slice %arg5[%dma_start3A] : memref<10080xi32, #tpu.memory_space<vmem>> -> memref<112xi32, #tpu.memory_space<vmem>>
    %dma_start3A_15 = arith.constant 0 : i32
    %dma_start3A_16 = arith.constant 0 : i32
    %dma_start3A_17 = tpu.memref_slice %arg7[%dma_start3A_15, %dma_start3A_16] : memref<10240x16xf32, #tpu.memory_space<vmem_shared>> -> memref<10240x16xf32, #tpu.memory_space<vmem_shared>>
    tpu.enqueue_indirect_dma source(%arg6 : memref<112x16xf32, #tpu.memory_space<vmem>>) target(%dma_start3A_17 : memref<10240x16xf32, #tpu.memory_space<vmem_shared>>) offsets(%dma_start3A_14 : memref<112xi32, #tpu.memory_space<vmem>>) semaphore(%arg8 : memref<!tpu.dma_semaphore, #tpu.memory_space<semaphore_mem>>) {add = true}
    %scan3A_18 = arith.constant 0 : i32
    %scan3A_19 = arith.constant 0 : i32
    %scan3A_20 = arith.constant 44 : i32
    %scan3A_21 = arith.addi %scan3A_19, %scan3A_20 : i32
    %scan3A_22 = arith.constant 1 : i32
    scf.for %scan3A_46 = %scan3A_19 to %scan3A_21 step %scan3A_22  : i32 {
      %mul3A_47 = arith.constant 2 : i32
      %mul3A_48 = arith.muli %mul3A_47, %scan3A_46 : i32
      %add3A_49 = arith.constant 1 : i32
      %add3A_50 = arith.addi %mul3A_48, %add3A_49 : i32
      %mul3A_51 = arith.constant 112 : i32
      %mul3A_52 = arith.muli %add3A_50, %mul3A_51 : i32
      %dma_start3A_53 = tpu.memref_slice %arg5[%mul3A_52] : memref<10080xi32, #tpu.memory_space<vmem>> -> memref<112xi32, #tpu.memory_space<vmem>>
      %dma_start3A_54 = arith.constant 0 : i32
      %dma_start3A_55 = arith.constant 0 : i32
      %dma_start3A_56 = tpu.memref_slice %arg7[%dma_start3A_54, %dma_start3A_55] : memref<10240x16xf32, #tpu.memory_space<vmem_shared>> -> memref<10240x16xf32, #tpu.memory_space<vmem_shared>>
      tpu.enqueue_indirect_dma source(%arg6 : memref<112x16xf32, #tpu.memory_space<vmem>>) target(%dma_start3A_56 : memref<10240x16xf32, #tpu.memory_space<vmem_shared>>) offsets(%dma_start3A_53 : memref<112xi32, #tpu.memory_space<vmem>>) semaphore(%arg9 : memref<!tpu.dma_semaphore, #tpu.memory_space<semaphore_mem>>) {add = true}
      %dma_wait3A_57 = arith.constant 0 : i32
      %dma_wait3A_58 = tpu.memref_slice %arg5[%dma_wait3A_57] : memref<10080xi32, #tpu.memory_space<vmem>> -> memref<112xi32, #tpu.memory_space<vmem>>
      %dma_wait3A_59 = arith.constant 0 : i32
      %dma_wait3A_60 = arith.constant 0 : i32
      %dma_wait3A_61 = tpu.memref_slice %arg7[%dma_wait3A_59, %dma_wait3A_60] : memref<10240x16xf32, #tpu.memory_space<vmem_shared>> -> memref<10240x16xf32, #tpu.memory_space<vmem_shared>>
      tpu.wait_indirect_dma semaphore(%arg8 : memref<!tpu.dma_semaphore, #tpu.memory_space<semaphore_mem>>) src(%arg6 : memref<112x16xf32, #tpu.memory_space<vmem>>) dst(%dma_wait3A_61 : memref<10240x16xf32, #tpu.memory_space<vmem_shared>>)
      %add3A_62 = arith.constant 1 : i32
      %add3A_63 = arith.addi %add3A_50, %add3A_62 : i32
      %mul3A_64 = arith.constant 112 : i32
      %mul3A_65 = arith.muli %add3A_63, %mul3A_64 : i32
      %dma_start3A_66 = tpu.memref_slice %arg5[%mul3A_65] : memref<10080xi32, #tpu.memory_space<vmem>> -> memref<112xi32, #tpu.memory_space<vmem>>
      %dma_start3A_67 = arith.constant 0 : i32
      %dma_start3A_68 = arith.constant 0 : i32
      %dma_start3A_69 = tpu.memref_slice %arg7[%dma_start3A_67, %dma_start3A_68] : memref<10240x16xf32, #tpu.memory_space<vmem_shared>> -> memref<10240x16xf32, #tpu.memory_space<vmem_shared>>
      tpu.enqueue_indirect_dma source(%arg6 : memref<112x16xf32, #tpu.memory_space<vmem>>) target(%dma_start3A_69 : memref<10240x16xf32, #tpu.memory_space<vmem_shared>>) offsets(%dma_start3A_66 : memref<112xi32, #tpu.memory_space<vmem>>) semaphore(%arg8 : memref<!tpu.dma_semaphore, #tpu.memory_space<semaphore_mem>>) {add = true}
      %dma_wait3A_70 = arith.constant 0 : i32
      %dma_wait3A_71 = tpu.memref_slice %arg5[%dma_wait3A_70] : memref<10080xi32, #tpu.memory_space<vmem>> -> memref<112xi32, #tpu.memory_space<vmem>>
      %dma_wait3A_72 = arith.constant 0 : i32
      %dma_wait3A_73 = arith.constant 0 : i32
      %dma_wait3A_74 = tpu.memref_slice %arg7[%dma_wait3A_72, %dma_wait3A_73] : memref<10240x16xf32, #tpu.memory_space<vmem_shared>> -> memref<10240x16xf32, #tpu.memory_space<vmem_shared>>
      tpu.wait_indirect_dma semaphore(%arg9 : memref<!tpu.dma_semaphore, #tpu.memory_space<semaphore_mem>>) src(%arg6 : memref<112x16xf32, #tpu.memory_space<vmem>>) dst(%dma_wait3A_74 : memref<10240x16xf32, #tpu.memory_space<vmem_shared>>)
    }
    %scan3A_23 = arith.constant 44 : i32
    %dma_start3A_24 = arith.constant 9968 : i32
    %dma_start3A_25 = tpu.memref_slice %arg5[%dma_start3A_24] : memref<10080xi32, #tpu.memory_space<vmem>> -> memref<112xi32, #tpu.memory_space<vmem>>
    %dma_start3A_26 = arith.constant 0 : i32
    %dma_start3A_27 = arith.constant 0 : i32
    %dma_start3A_28 = tpu.memref_slice %arg7[%dma_start3A_26, %dma_start3A_27] : memref<10240x16xf32, #tpu.memory_space<vmem_shared>> -> memref<10240x16xf32, #tpu.memory_space<vmem_shared>>
    tpu.enqueue_indirect_dma source(%arg6 : memref<112x16xf32, #tpu.memory_space<vmem>>) target(%dma_start3A_28 : memref<10240x16xf32, #tpu.memory_space<vmem_shared>>) offsets(%dma_start3A_25 : memref<112xi32, #tpu.memory_space<vmem>>) semaphore(%arg9 : memref<!tpu.dma_semaphore, #tpu.memory_space<semaphore_mem>>) {add = true}
    %dma_wait3A = arith.constant 0 : i32
    %dma_wait3A_29 = tpu.memref_slice %arg5[%dma_wait3A] : memref<10080xi32, #tpu.memory_space<vmem>> -> memref<112xi32, #tpu.memory_space<vmem>>
    %dma_wait3A_30 = arith.constant 0 : i32
    %dma_wait3A_31 = arith.constant 0 : i32
    %dma_wait3A_32 = tpu.memref_slice %arg7[%dma_wait3A_30, %dma_wait3A_31] : memref<10240x16xf32, #tpu.memory_space<vmem_shared>> -> memref<10240x16xf32, #tpu.memory_space<vmem_shared>>
    tpu.wait_indirect_dma semaphore(%arg8 : memref<!tpu.dma_semaphore, #tpu.memory_space<semaphore_mem>>) src(%arg6 : memref<112x16xf32, #tpu.memory_space<vmem>>) dst(%dma_wait3A_32 : memref<10240x16xf32, #tpu.memory_space<vmem_shared>>)
    %dma_wait3A_33 = arith.constant 0 : i32
    %dma_wait3A_34 = tpu.memref_slice %arg5[%dma_wait3A_33] : memref<10080xi32, #tpu.memory_space<vmem>> -> memref<112xi32, #tpu.memory_space<vmem>>
    %dma_wait3A_35 = arith.constant 0 : i32
    %dma_wait3A_36 = arith.constant 0 : i32
    %dma_wait3A_37 = tpu.memref_slice %arg7[%dma_wait3A_35, %dma_wait3A_36] : memref<10240x16xf32, #tpu.memory_space<vmem_shared>> -> memref<10240x16xf32, #tpu.memory_space<vmem_shared>>
    tpu.wait_indirect_dma semaphore(%arg9 : memref<!tpu.dma_semaphore, #tpu.memory_space<semaphore_mem>>) src(%arg6 : memref<112x16xf32, #tpu.memory_space<vmem>>) dst(%dma_wait3A_37 : memref<10240x16xf32, #tpu.memory_space<vmem_shared>>)
    %barrier3A_38 = arith.constant 0 : index
    tpu.barrier barrier_id(%barrier3A_38)
    %mul3A_39 = arith.constant 640 : i32
    %mul3A_40 = arith.muli %arg1, %mul3A_39 : i32
    %mul3A_41 = arith.constant 10240 : i32
    %mul3A_42 = arith.muli %arg0, %mul3A_41 : i32
    %mul3A_43 = arith.constant 640 : i32
    %mul3A_44 = arith.muli %arg1, %mul3A_43 : i32
    %add3A_45 = arith.addi %mul3A_42, %mul3A_44 : i32
    "tpu.region"() ({
      %run_scoped3A = tpu.sem_alloc : memref<!tpu.dma_semaphore, #tpu.memory_space<semaphore_mem>>
      %dma_start3A_46 = arith.constant 0 : i32
      %dma_start3A_47 = tpu.memref_slice %arg4[%add3A_45, %dma_start3A_46] : memref<20480x16xf32, #tpu.memory_space<hbm>> -> memref<640x16xf32, #tpu.memory_space<hbm>>
      %dma_start3A_48 = arith.constant 0 : i32
      %dma_start3A_49 = tpu.memref_slice %arg7[%mul3A_40, %dma_start3A_48] : memref<10240x16xf32, #tpu.memory_space<vmem_shared>> -> memref<640x16xf32, #tpu.memory_space<vmem_shared>>
      tpu.enqueue_dma source(%dma_start3A_49 : memref<640x16xf32, #tpu.memory_space<vmem_shared>>) target(%dma_start3A_47 : memref<640x16xf32, #tpu.memory_space<hbm>>) target_semaphore(%run_scoped3A : memref<!tpu.dma_semaphore, #tpu.memory_space<semaphore_mem>>)
      %dma_wait3A_50 = arith.constant 0 : i32
      %dma_wait3A_51 = tpu.memref_slice %arg4[%add3A_45, %dma_wait3A_50] : memref<20480x16xf32, #tpu.memory_space<hbm>> -> memref<640x16xf32, #tpu.memory_space<hbm>>
      %dma_wait3A_52 = arith.constant 0 : i32
      %dma_wait3A_53 = tpu.memref_slice %arg7[%mul3A_40, %dma_wait3A_52] : memref<10240x16xf32, #tpu.memory_space<vmem_shared>> -> memref<640x16xf32, #tpu.memory_space<vmem_shared>>
      tpu.wait_dma2 semaphore(%run_scoped3A : memref<!tpu.dma_semaphore, #tpu.memory_space<semaphore_mem>>) src(%dma_wait3A_53 : memref<640x16xf32, #tpu.memory_space<vmem_shared>>) dst(%dma_wait3A_51 : memref<640x16xf32, #tpu.memory_space<hbm>>)
      tpu.yield
    }) : () -> ()
    return
  }
}

#map = affine_map<(d0, d1) -> (0, 0)>
#map1 = affine_map<(d0, d1) -> (0)>
module attributes {stable_mosaic.version = 14 : i64} {
  func.func @_edge_kernel(%arg0: i32, %arg1: i32, %arg2: memref<10240x128xf32, #tpu.memory_space<hbm>>, %arg3: memref<322560xi32, #tpu.memory_space<hbm>>, %arg4: memref<322560xi32, #tpu.memory_space<hbm>>, %arg5: memref<640x128xf32, #tpu.memory_space<hbm>>, %arg6: memref<20480x128xf32, #tpu.memory_space<hbm>>, %arg7: memref<10080xi32, #tpu.memory_space<vmem>>, %arg8: memref<10080xi32, #tpu.memory_space<vmem>>, %arg9: memref<112x128xf32, #tpu.memory_space<vmem>>, %arg10: memref<112x128xf32, #tpu.memory_space<vmem>>, %arg11: memref<10240x128xf32, #tpu.memory_space<vmem_shared>>, %arg12: memref<!tpu.dma_semaphore, #tpu.memory_space<semaphore_mem>>, %arg13: memref<!tpu.dma_semaphore, #tpu.memory_space<semaphore_mem>>, %arg14: memref<!tpu.dma_semaphore, #tpu.memory_space<semaphore_mem>>, %arg15: memref<!tpu.dma_semaphore, #tpu.memory_space<semaphore_mem>>) attributes {dimension_semantics = [#tpu.dimension_semantics<core_parallel>, #tpu.dimension_semantics<subcore_parallel>], iteration_bounds = array<i64: 2, 16>, scalar_prefetch = 0 : i64, scratch_operands = 9 : i64, tpu.core_type = #tpu.core_type<sc_vector_subcore>, window_params = [{transform_indices = #map}, {transform_indices = #map1}, {transform_indices = #map1}, {transform_indices = #map}, {transform_indices = #map}]} {
    %mul3A = arith.constant 16 : i32
    %mul3A_0 = arith.muli %arg0, %mul3A : i32
    %add3A = arith.addi %mul3A_0, %arg1 : i32
    %mul3A_1 = arith.constant 640 : i32
    %mul3A_2 = arith.muli %arg1, %mul3A_1 : i32
    "tpu.region"() ({
      %run_scoped3A = tpu.sem_alloc : memref<!tpu.dma_semaphore, #tpu.memory_space<semaphore_mem>>
      %dma_start3A_102 = arith.constant 0 : i32
      %dma_start3A_103 = tpu.memref_slice %arg11[%mul3A_2, %dma_start3A_102] : memref<10240x128xf32, #tpu.memory_space<vmem_shared>> -> memref<640x128xf32, #tpu.memory_space<vmem_shared>>
      tpu.enqueue_dma source(%arg5 : memref<640x128xf32, #tpu.memory_space<hbm>>) target(%dma_start3A_103 : memref<640x128xf32, #tpu.memory_space<vmem_shared>>) target_semaphore(%run_scoped3A : memref<!tpu.dma_semaphore, #tpu.memory_space<semaphore_mem>>)
      %dma_wait3A_104 = arith.constant 0 : i32
      %dma_wait3A_105 = tpu.memref_slice %arg11[%mul3A_2, %dma_wait3A_104] : memref<10240x128xf32, #tpu.memory_space<vmem_shared>> -> memref<640x128xf32, #tpu.memory_space<vmem_shared>>
      tpu.wait_dma2 semaphore(%run_scoped3A : memref<!tpu.dma_semaphore, #tpu.memory_space<semaphore_mem>>) src(%arg5 : memref<640x128xf32, #tpu.memory_space<hbm>>) dst(%dma_wait3A_105 : memref<640x128xf32, #tpu.memory_space<vmem_shared>>)
      tpu.yield
    }) : () -> ()
    %barrier3A = arith.constant 0 : index
    tpu.barrier barrier_id(%barrier3A)
    %scan3A = arith.constant 0 : i32
    %scan3A_3 = arith.constant 0 : i32
    %mul3A_4 = arith.constant 10080 : i32
    %mul3A_5 = arith.muli %add3A, %mul3A_4 : i32
    %mul3A_6 = arith.constant 10080 : i32
    %mul3A_7 = arith.muli %scan3A_3, %mul3A_6 : i32
    %add3A_8 = arith.addi %mul3A_5, %mul3A_7 : i32
    %multiple_of3A = tpu.assume_multiple %add3A_8, 8 : i32
    "tpu.region"() ({
      %run_scoped3A = tpu.sem_alloc : memref<!tpu.dma_semaphore, #tpu.memory_space<semaphore_mem>>
      %dma_start3A_102 = tpu.memref_slice %arg3[%multiple_of3A] : memref<322560xi32, #tpu.memory_space<hbm>> -> memref<10080xi32, #tpu.memory_space<hbm>>
      %dma_start3A_103 = tpu.memref_slice %arg3[%multiple_of3A] : memref<322560xi32, #tpu.memory_space<hbm>> -> memref<10080xi32, #tpu.memory_space<hbm>>
      tpu.enqueue_dma source(%dma_start3A_103 : memref<10080xi32, #tpu.memory_space<hbm>>) target(%arg7 : memref<10080xi32, #tpu.memory_space<vmem>>) target_semaphore(%run_scoped3A : memref<!tpu.dma_semaphore, #tpu.memory_space<semaphore_mem>>)
      %dma_wait3A_104 = tpu.memref_slice %arg3[%multiple_of3A] : memref<322560xi32, #tpu.memory_space<hbm>> -> memref<10080xi32, #tpu.memory_space<hbm>>
      %dma_wait3A_105 = tpu.memref_slice %arg3[%multiple_of3A] : memref<322560xi32, #tpu.memory_space<hbm>> -> memref<10080xi32, #tpu.memory_space<hbm>>
      tpu.wait_dma2 semaphore(%run_scoped3A : memref<!tpu.dma_semaphore, #tpu.memory_space<semaphore_mem>>) src(%dma_wait3A_105 : memref<10080xi32, #tpu.memory_space<hbm>>) dst(%arg7 : memref<10080xi32, #tpu.memory_space<vmem>>)
      tpu.yield
    }) : () -> ()
    "tpu.region"() ({
      %run_scoped3A = tpu.sem_alloc : memref<!tpu.dma_semaphore, #tpu.memory_space<semaphore_mem>>
      %dma_start3A_102 = tpu.memref_slice %arg4[%multiple_of3A] : memref<322560xi32, #tpu.memory_space<hbm>> -> memref<10080xi32, #tpu.memory_space<hbm>>
      %dma_start3A_103 = tpu.memref_slice %arg4[%multiple_of3A] : memref<322560xi32, #tpu.memory_space<hbm>> -> memref<10080xi32, #tpu.memory_space<hbm>>
      tpu.enqueue_dma source(%dma_start3A_103 : memref<10080xi32, #tpu.memory_space<hbm>>) target(%arg8 : memref<10080xi32, #tpu.memory_space<vmem>>) target_semaphore(%run_scoped3A : memref<!tpu.dma_semaphore, #tpu.memory_space<semaphore_mem>>)
      %dma_wait3A_104 = tpu.memref_slice %arg4[%multiple_of3A] : memref<322560xi32, #tpu.memory_space<hbm>> -> memref<10080xi32, #tpu.memory_space<hbm>>
      %dma_wait3A_105 = tpu.memref_slice %arg4[%multiple_of3A] : memref<322560xi32, #tpu.memory_space<hbm>> -> memref<10080xi32, #tpu.memory_space<hbm>>
      tpu.wait_dma2 semaphore(%run_scoped3A : memref<!tpu.dma_semaphore, #tpu.memory_space<semaphore_mem>>) src(%dma_wait3A_105 : memref<10080xi32, #tpu.memory_space<hbm>>) dst(%arg8 : memref<10080xi32, #tpu.memory_space<vmem>>)
      tpu.yield
    }) : () -> ()
    %dma_start3A = arith.constant 0 : i32
    %dma_start3A_9 = tpu.memref_slice %arg7[%dma_start3A] : memref<10080xi32, #tpu.memory_space<vmem>> -> memref<112xi32, #tpu.memory_space<vmem>>
    %dma_start3A_10 = arith.constant 0 : i32
    %dma_start3A_11 = arith.constant 0 : i32
    %dma_start3A_12 = tpu.memref_slice %arg2[%dma_start3A_10, %dma_start3A_11] : memref<10240x128xf32, #tpu.memory_space<hbm>> -> memref<10240x128xf32, #tpu.memory_space<hbm>>
    tpu.enqueue_indirect_dma source(%dma_start3A_12 : memref<10240x128xf32, #tpu.memory_space<hbm>>) target(%arg9 : memref<112x128xf32, #tpu.memory_space<vmem>>) offsets(%dma_start3A_9 : memref<112xi32, #tpu.memory_space<vmem>>) semaphore(%arg12 : memref<!tpu.dma_semaphore, #tpu.memory_space<semaphore_mem>>)
    %dma_wait3A = arith.constant 0 : i32
    %dma_wait3A_13 = tpu.memref_slice %arg7[%dma_wait3A] : memref<10080xi32, #tpu.memory_space<vmem>> -> memref<112xi32, #tpu.memory_space<vmem>>
    %dma_wait3A_14 = arith.constant 0 : i32
    %dma_wait3A_15 = arith.constant 0 : i32
    %dma_wait3A_16 = tpu.memref_slice %arg2[%dma_wait3A_14, %dma_wait3A_15] : memref<10240x128xf32, #tpu.memory_space<hbm>> -> memref<10240x128xf32, #tpu.memory_space<hbm>>
    tpu.wait_indirect_dma semaphore(%arg12 : memref<!tpu.dma_semaphore, #tpu.memory_space<semaphore_mem>>) src(%dma_wait3A_16 : memref<10240x128xf32, #tpu.memory_space<hbm>>) dst(%arg9 : memref<112x128xf32, #tpu.memory_space<vmem>>)
    %dma_start3A_17 = arith.constant 112 : i32
    %dma_start3A_18 = tpu.memref_slice %arg7[%dma_start3A_17] : memref<10080xi32, #tpu.memory_space<vmem>> -> memref<112xi32, #tpu.memory_space<vmem>>
    %dma_start3A_19 = arith.constant 0 : i32
    %dma_start3A_20 = arith.constant 0 : i32
    %dma_start3A_21 = tpu.memref_slice %arg2[%dma_start3A_19, %dma_start3A_20] : memref<10240x128xf32, #tpu.memory_space<hbm>> -> memref<10240x128xf32, #tpu.memory_space<hbm>>
    tpu.enqueue_indirect_dma source(%dma_start3A_21 : memref<10240x128xf32, #tpu.memory_space<hbm>>) target(%arg10 : memref<112x128xf32, #tpu.memory_space<vmem>>) offsets(%dma_start3A_18 : memref<112xi32, #tpu.memory_space<vmem>>) semaphore(%arg13 : memref<!tpu.dma_semaphore, #tpu.memory_space<semaphore_mem>>)
    %dma_start3A_22 = arith.constant 0 : i32
    %dma_start3A_23 = tpu.memref_slice %arg8[%dma_start3A_22] : memref<10080xi32, #tpu.memory_space<vmem>> -> memref<112xi32, #tpu.memory_space<vmem>>
    %dma_start3A_24 = arith.constant 0 : i32
    %dma_start3A_25 = arith.constant 0 : i32
    %dma_start3A_26 = tpu.memref_slice %arg11[%dma_start3A_24, %dma_start3A_25] : memref<10240x128xf32, #tpu.memory_space<vmem_shared>> -> memref<10240x128xf32, #tpu.memory_space<vmem_shared>>
    tpu.enqueue_indirect_dma source(%arg9 : memref<112x128xf32, #tpu.memory_space<vmem>>) target(%dma_start3A_26 : memref<10240x128xf32, #tpu.memory_space<vmem_shared>>) offsets(%dma_start3A_23 : memref<112xi32, #tpu.memory_space<vmem>>) semaphore(%arg14 : memref<!tpu.dma_semaphore, #tpu.memory_space<semaphore_mem>>) {add = true}
    %scan3A_27 = arith.constant 0 : i32
    %scan3A_28 = arith.constant 0 : i32
    %scan3A_29 = arith.constant 43 : i32
    %scan3A_30 = arith.addi %scan3A_28, %scan3A_29 : i32
    %scan3A_31 = arith.constant 1 : i32
    scf.for %scan3A_102 = %scan3A_28 to %scan3A_30 step %scan3A_31  : i32 {
      %mul3A_103 = arith.constant 2 : i32
      %mul3A_104 = arith.muli %mul3A_103, %scan3A_102 : i32
      %add3A_105 = arith.constant 1 : i32
      %add3A_106 = arith.addi %mul3A_104, %add3A_105 : i32
      %dma_wait3A_107 = arith.constant 0 : i32
      %dma_wait3A_108 = tpu.memref_slice %arg7[%dma_wait3A_107] : memref<10080xi32, #tpu.memory_space<vmem>> -> memref<112xi32, #tpu.memory_space<vmem>>
      %dma_wait3A_109 = arith.constant 0 : i32
      %dma_wait3A_110 = arith.constant 0 : i32
      %dma_wait3A_111 = tpu.memref_slice %arg2[%dma_wait3A_109, %dma_wait3A_110] : memref<10240x128xf32, #tpu.memory_space<hbm>> -> memref<10240x128xf32, #tpu.memory_space<hbm>>
      tpu.wait_indirect_dma semaphore(%arg13 : memref<!tpu.dma_semaphore, #tpu.memory_space<semaphore_mem>>) src(%dma_wait3A_111 : memref<10240x128xf32, #tpu.memory_space<hbm>>) dst(%arg10 : memref<112x128xf32, #tpu.memory_space<vmem>>)
      %dma_wait3A_112 = arith.constant 0 : i32
      %dma_wait3A_113 = tpu.memref_slice %arg8[%dma_wait3A_112] : memref<10080xi32, #tpu.memory_space<vmem>> -> memref<112xi32, #tpu.memory_space<vmem>>
      %dma_wait3A_114 = arith.constant 0 : i32
      %dma_wait3A_115 = arith.constant 0 : i32
      %dma_wait3A_116 = tpu.memref_slice %arg11[%dma_wait3A_114, %dma_wait3A_115] : memref<10240x128xf32, #tpu.memory_space<vmem_shared>> -> memref<10240x128xf32, #tpu.memory_space<vmem_shared>>
      tpu.wait_indirect_dma semaphore(%arg14 : memref<!tpu.dma_semaphore, #tpu.memory_space<semaphore_mem>>) src(%arg9 : memref<112x128xf32, #tpu.memory_space<vmem>>) dst(%dma_wait3A_116 : memref<10240x128xf32, #tpu.memory_space<vmem_shared>>)
      %add3A_117 = arith.constant 1 : i32
      %add3A_118 = arith.addi %add3A_106, %add3A_117 : i32
      %mul3A_119 = arith.constant 112 : i32
      %mul3A_120 = arith.muli %add3A_118, %mul3A_119 : i32
      %dma_start3A_121 = tpu.memref_slice %arg7[%mul3A_120] : memref<10080xi32, #tpu.memory_space<vmem>> -> memref<112xi32, #tpu.memory_space<vmem>>
      %dma_start3A_122 = arith.constant 0 : i32
      %dma_start3A_123 = arith.constant 0 : i32
      %dma_start3A_124 = tpu.memref_slice %arg2[%dma_start3A_122, %dma_start3A_123] : memref<10240x128xf32, #tpu.memory_space<hbm>> -> memref<10240x128xf32, #tpu.memory_space<hbm>>
      tpu.enqueue_indirect_dma source(%dma_start3A_124 : memref<10240x128xf32, #tpu.memory_space<hbm>>) target(%arg9 : memref<112x128xf32, #tpu.memory_space<vmem>>) offsets(%dma_start3A_121 : memref<112xi32, #tpu.memory_space<vmem>>) semaphore(%arg12 : memref<!tpu.dma_semaphore, #tpu.memory_space<semaphore_mem>>)
      %mul3A_125 = arith.constant 112 : i32
      %mul3A_126 = arith.muli %add3A_106, %mul3A_125 : i32
      %dma_start3A_127 = tpu.memref_slice %arg8[%mul3A_126] : memref<10080xi32, #tpu.memory_space<vmem>> -> memref<112xi32, #tpu.memory_space<vmem>>
      %dma_start3A_128 = arith.constant 0 : i32
      %dma_start3A_129 = arith.constant 0 : i32
      %dma_start3A_130 = tpu.memref_slice %arg11[%dma_start3A_128, %dma_start3A_129] : memref<10240x128xf32, #tpu.memory_space<vmem_shared>> -> memref<10240x128xf32, #tpu.memory_space<vmem_shared>>
      tpu.enqueue_indirect_dma source(%arg10 : memref<112x128xf32, #tpu.memory_space<vmem>>) target(%dma_start3A_130 : memref<10240x128xf32, #tpu.memory_space<vmem_shared>>) offsets(%dma_start3A_127 : memref<112xi32, #tpu.memory_space<vmem>>) semaphore(%arg15 : memref<!tpu.dma_semaphore, #tpu.memory_space<semaphore_mem>>) {add = true}
      %dma_wait3A_131 = arith.constant 0 : i32
      %dma_wait3A_132 = tpu.memref_slice %arg7[%dma_wait3A_131] : memref<10080xi32, #tpu.memory_space<vmem>> -> memref<112xi32, #tpu.memory_space<vmem>>
      %dma_wait3A_133 = arith.constant 0 : i32
      %dma_wait3A_134 = arith.constant 0 : i32
      %dma_wait3A_135 = tpu.memref_slice %arg2[%dma_wait3A_133, %dma_wait3A_134] : memref<10240x128xf32, #tpu.memory_space<hbm>> -> memref<10240x128xf32, #tpu.memory_space<hbm>>
      tpu.wait_indirect_dma semaphore(%arg12 : memref<!tpu.dma_semaphore, #tpu.memory_space<semaphore_mem>>) src(%dma_wait3A_135 : memref<10240x128xf32, #tpu.memory_space<hbm>>) dst(%arg9 : memref<112x128xf32, #tpu.memory_space<vmem>>)
      %dma_wait3A_136 = arith.constant 0 : i32
      %dma_wait3A_137 = tpu.memref_slice %arg8[%dma_wait3A_136] : memref<10080xi32, #tpu.memory_space<vmem>> -> memref<112xi32, #tpu.memory_space<vmem>>
      %dma_wait3A_138 = arith.constant 0 : i32
      %dma_wait3A_139 = arith.constant 0 : i32
      %dma_wait3A_140 = tpu.memref_slice %arg11[%dma_wait3A_138, %dma_wait3A_139] : memref<10240x128xf32, #tpu.memory_space<vmem_shared>> -> memref<10240x128xf32, #tpu.memory_space<vmem_shared>>
      tpu.wait_indirect_dma semaphore(%arg15 : memref<!tpu.dma_semaphore, #tpu.memory_space<semaphore_mem>>) src(%arg10 : memref<112x128xf32, #tpu.memory_space<vmem>>) dst(%dma_wait3A_140 : memref<10240x128xf32, #tpu.memory_space<vmem_shared>>)
      %add3A_141 = arith.constant 2 : i32
      %add3A_142 = arith.addi %add3A_106, %add3A_141 : i32
      %mul3A_143 = arith.constant 112 : i32
      %mul3A_144 = arith.muli %add3A_142, %mul3A_143 : i32
      %dma_start3A_145 = tpu.memref_slice %arg7[%mul3A_144] : memref<10080xi32, #tpu.memory_space<vmem>> -> memref<112xi32, #tpu.memory_space<vmem>>
      %dma_start3A_146 = arith.constant 0 : i32
      %dma_start3A_147 = arith.constant 0 : i32
      %dma_start3A_148 = tpu.memref_slice %arg2[%dma_start3A_146, %dma_start3A_147] : memref<10240x128xf32, #tpu.memory_space<hbm>> -> memref<10240x128xf32, #tpu.memory_space<hbm>>
      tpu.enqueue_indirect_dma source(%dma_start3A_148 : memref<10240x128xf32, #tpu.memory_space<hbm>>) target(%arg10 : memref<112x128xf32, #tpu.memory_space<vmem>>) offsets(%dma_start3A_145 : memref<112xi32, #tpu.memory_space<vmem>>) semaphore(%arg13 : memref<!tpu.dma_semaphore, #tpu.memory_space<semaphore_mem>>)
      %add3A_149 = arith.constant 1 : i32
      %add3A_150 = arith.addi %add3A_106, %add3A_149 : i32
      %mul3A_151 = arith.constant 112 : i32
      %mul3A_152 = arith.muli %add3A_150, %mul3A_151 : i32
      %dma_start3A_153 = tpu.memref_slice %arg8[%mul3A_152] : memref<10080xi32, #tpu.memory_space<vmem>> -> memref<112xi32, #tpu.memory_space<vmem>>
      %dma_start3A_154 = arith.constant 0 : i32
      %dma_start3A_155 = arith.constant 0 : i32
      %dma_start3A_156 = tpu.memref_slice %arg11[%dma_start3A_154, %dma_start3A_155] : memref<10240x128xf32, #tpu.memory_space<vmem_shared>> -> memref<10240x128xf32, #tpu.memory_space<vmem_shared>>
      tpu.enqueue_indirect_dma source(%arg9 : memref<112x128xf32, #tpu.memory_space<vmem>>) target(%dma_start3A_156 : memref<10240x128xf32, #tpu.memory_space<vmem_shared>>) offsets(%dma_start3A_153 : memref<112xi32, #tpu.memory_space<vmem>>) semaphore(%arg14 : memref<!tpu.dma_semaphore, #tpu.memory_space<semaphore_mem>>) {add = true}
    }
    %scan3A_32 = arith.constant 43 : i32
    %dma_wait3A_33 = arith.constant 0 : i32
    %dma_wait3A_34 = tpu.memref_slice %arg7[%dma_wait3A_33] : memref<10080xi32, #tpu.memory_space<vmem>> -> memref<112xi32, #tpu.memory_space<vmem>>
    %dma_wait3A_35 = arith.constant 0 : i32
    %dma_wait3A_36 = arith.constant 0 : i32
    %dma_wait3A_37 = tpu.memref_slice %arg2[%dma_wait3A_35, %dma_wait3A_36] : memref<10240x128xf32, #tpu.memory_space<hbm>> -> memref<10240x128xf32, #tpu.memory_space<hbm>>
    tpu.wait_indirect_dma semaphore(%arg13 : memref<!tpu.dma_semaphore, #tpu.memory_space<semaphore_mem>>) src(%dma_wait3A_37 : memref<10240x128xf32, #tpu.memory_space<hbm>>) dst(%arg10 : memref<112x128xf32, #tpu.memory_space<vmem>>)
    %dma_wait3A_38 = arith.constant 0 : i32
    %dma_wait3A_39 = tpu.memref_slice %arg8[%dma_wait3A_38] : memref<10080xi32, #tpu.memory_space<vmem>> -> memref<112xi32, #tpu.memory_space<vmem>>
    %dma_wait3A_40 = arith.constant 0 : i32
    %dma_wait3A_41 = arith.constant 0 : i32
    %dma_wait3A_42 = tpu.memref_slice %arg11[%dma_wait3A_40, %dma_wait3A_41] : memref<10240x128xf32, #tpu.memory_space<vmem_shared>> -> memref<10240x128xf32, #tpu.memory_space<vmem_shared>>
    tpu.wait_indirect_dma semaphore(%arg14 : memref<!tpu.dma_semaphore, #tpu.memory_space<semaphore_mem>>) src(%arg9 : memref<112x128xf32, #tpu.memory_space<vmem>>) dst(%dma_wait3A_42 : memref<10240x128xf32, #tpu.memory_space<vmem_shared>>)
    %dma_start3A_43 = arith.constant 9856 : i32
    %dma_start3A_44 = tpu.memref_slice %arg7[%dma_start3A_43] : memref<10080xi32, #tpu.memory_space<vmem>> -> memref<112xi32, #tpu.memory_space<vmem>>
    %dma_start3A_45 = arith.constant 0 : i32
    %dma_start3A_46 = arith.constant 0 : i32
    %dma_start3A_47 = tpu.memref_slice %arg2[%dma_start3A_45, %dma_start3A_46] : memref<10240x128xf32, #tpu.memory_space<hbm>> -> memref<10240x128xf32, #tpu.memory_space<hbm>>
    tpu.enqueue_indirect_dma source(%dma_start3A_47 : memref<10240x128xf32, #tpu.memory_space<hbm>>) target(%arg9 : memref<112x128xf32, #tpu.memory_space<vmem>>) offsets(%dma_start3A_44 : memref<112xi32, #tpu.memory_space<vmem>>) semaphore(%arg12 : memref<!tpu.dma_semaphore, #tpu.memory_space<semaphore_mem>>)
    %dma_start3A_48 = arith.constant 9744 : i32
    %dma_start3A_49 = tpu.memref_slice %arg8[%dma_start3A_48] : memref<10080xi32, #tpu.memory_space<vmem>> -> memref<112xi32, #tpu.memory_space<vmem>>
    %dma_start3A_50 = arith.constant 0 : i32
    %dma_start3A_51 = arith.constant 0 : i32
    %dma_start3A_52 = tpu.memref_slice %arg11[%dma_start3A_50, %dma_start3A_51] : memref<10240x128xf32, #tpu.memory_space<vmem_shared>> -> memref<10240x128xf32, #tpu.memory_space<vmem_shared>>
    tpu.enqueue_indirect_dma source(%arg10 : memref<112x128xf32, #tpu.memory_space<vmem>>) target(%dma_start3A_52 : memref<10240x128xf32, #tpu.memory_space<vmem_shared>>) offsets(%dma_start3A_49 : memref<112xi32, #tpu.memory_space<vmem>>) semaphore(%arg15 : memref<!tpu.dma_semaphore, #tpu.memory_space<semaphore_mem>>) {add = true}
    %dma_wait3A_53 = arith.constant 0 : i32
    %dma_wait3A_54 = tpu.memref_slice %arg7[%dma_wait3A_53] : memref<10080xi32, #tpu.memory_space<vmem>> -> memref<112xi32, #tpu.memory_space<vmem>>
    %dma_wait3A_55 = arith.constant 0 : i32
    %dma_wait3A_56 = arith.constant 0 : i32
    %dma_wait3A_57 = tpu.memref_slice %arg2[%dma_wait3A_55, %dma_wait3A_56] : memref<10240x128xf32, #tpu.memory_space<hbm>> -> memref<10240x128xf32, #tpu.memory_space<hbm>>
    tpu.wait_indirect_dma semaphore(%arg12 : memref<!tpu.dma_semaphore, #tpu.memory_space<semaphore_mem>>) src(%dma_wait3A_57 : memref<10240x128xf32, #tpu.memory_space<hbm>>) dst(%arg9 : memref<112x128xf32, #tpu.memory_space<vmem>>)
    %dma_wait3A_58 = arith.constant 0 : i32
    %dma_wait3A_59 = tpu.memref_slice %arg8[%dma_wait3A_58] : memref<10080xi32, #tpu.memory_space<vmem>> -> memref<112xi32, #tpu.memory_space<vmem>>
    %dma_wait3A_60 = arith.constant 0 : i32
    %dma_wait3A_61 = arith.constant 0 : i32
    %dma_wait3A_62 = tpu.memref_slice %arg11[%dma_wait3A_60, %dma_wait3A_61] : memref<10240x128xf32, #tpu.memory_space<vmem_shared>> -> memref<10240x128xf32, #tpu.memory_space<vmem_shared>>
    tpu.wait_indirect_dma semaphore(%arg15 : memref<!tpu.dma_semaphore, #tpu.memory_space<semaphore_mem>>) src(%arg10 : memref<112x128xf32, #tpu.memory_space<vmem>>) dst(%dma_wait3A_62 : memref<10240x128xf32, #tpu.memory_space<vmem_shared>>)
    %dma_start3A_63 = arith.constant 9968 : i32
    %dma_start3A_64 = tpu.memref_slice %arg7[%dma_start3A_63] : memref<10080xi32, #tpu.memory_space<vmem>> -> memref<112xi32, #tpu.memory_space<vmem>>
    %dma_start3A_65 = arith.constant 0 : i32
    %dma_start3A_66 = arith.constant 0 : i32
    %dma_start3A_67 = tpu.memref_slice %arg2[%dma_start3A_65, %dma_start3A_66] : memref<10240x128xf32, #tpu.memory_space<hbm>> -> memref<10240x128xf32, #tpu.memory_space<hbm>>
    tpu.enqueue_indirect_dma source(%dma_start3A_67 : memref<10240x128xf32, #tpu.memory_space<hbm>>) target(%arg10 : memref<112x128xf32, #tpu.memory_space<vmem>>) offsets(%dma_start3A_64 : memref<112xi32, #tpu.memory_space<vmem>>) semaphore(%arg13 : memref<!tpu.dma_semaphore, #tpu.memory_space<semaphore_mem>>)
    %dma_start3A_68 = arith.constant 9856 : i32
    %dma_start3A_69 = tpu.memref_slice %arg8[%dma_start3A_68] : memref<10080xi32, #tpu.memory_space<vmem>> -> memref<112xi32, #tpu.memory_space<vmem>>
    %dma_start3A_70 = arith.constant 0 : i32
    %dma_start3A_71 = arith.constant 0 : i32
    %dma_start3A_72 = tpu.memref_slice %arg11[%dma_start3A_70, %dma_start3A_71] : memref<10240x128xf32, #tpu.memory_space<vmem_shared>> -> memref<10240x128xf32, #tpu.memory_space<vmem_shared>>
    tpu.enqueue_indirect_dma source(%arg9 : memref<112x128xf32, #tpu.memory_space<vmem>>) target(%dma_start3A_72 : memref<10240x128xf32, #tpu.memory_space<vmem_shared>>) offsets(%dma_start3A_69 : memref<112xi32, #tpu.memory_space<vmem>>) semaphore(%arg14 : memref<!tpu.dma_semaphore, #tpu.memory_space<semaphore_mem>>) {add = true}
    %dma_wait3A_73 = arith.constant 0 : i32
    %dma_wait3A_74 = tpu.memref_slice %arg7[%dma_wait3A_73] : memref<10080xi32, #tpu.memory_space<vmem>> -> memref<112xi32, #tpu.memory_space<vmem>>
    %dma_wait3A_75 = arith.constant 0 : i32
    %dma_wait3A_76 = arith.constant 0 : i32
    %dma_wait3A_77 = tpu.memref_slice %arg2[%dma_wait3A_75, %dma_wait3A_76] : memref<10240x128xf32, #tpu.memory_space<hbm>> -> memref<10240x128xf32, #tpu.memory_space<hbm>>
    tpu.wait_indirect_dma semaphore(%arg13 : memref<!tpu.dma_semaphore, #tpu.memory_space<semaphore_mem>>) src(%dma_wait3A_77 : memref<10240x128xf32, #tpu.memory_space<hbm>>) dst(%arg10 : memref<112x128xf32, #tpu.memory_space<vmem>>)
    %dma_wait3A_78 = arith.constant 0 : i32
    %dma_wait3A_79 = tpu.memref_slice %arg8[%dma_wait3A_78] : memref<10080xi32, #tpu.memory_space<vmem>> -> memref<112xi32, #tpu.memory_space<vmem>>
    %dma_wait3A_80 = arith.constant 0 : i32
    %dma_wait3A_81 = arith.constant 0 : i32
    %dma_wait3A_82 = tpu.memref_slice %arg11[%dma_wait3A_80, %dma_wait3A_81] : memref<10240x128xf32, #tpu.memory_space<vmem_shared>> -> memref<10240x128xf32, #tpu.memory_space<vmem_shared>>
    tpu.wait_indirect_dma semaphore(%arg14 : memref<!tpu.dma_semaphore, #tpu.memory_space<semaphore_mem>>) src(%arg9 : memref<112x128xf32, #tpu.memory_space<vmem>>) dst(%dma_wait3A_82 : memref<10240x128xf32, #tpu.memory_space<vmem_shared>>)
    %dma_start3A_83 = arith.constant 9968 : i32
    %dma_start3A_84 = tpu.memref_slice %arg8[%dma_start3A_83] : memref<10080xi32, #tpu.memory_space<vmem>> -> memref<112xi32, #tpu.memory_space<vmem>>
    %dma_start3A_85 = arith.constant 0 : i32
    %dma_start3A_86 = arith.constant 0 : i32
    %dma_start3A_87 = tpu.memref_slice %arg11[%dma_start3A_85, %dma_start3A_86] : memref<10240x128xf32, #tpu.memory_space<vmem_shared>> -> memref<10240x128xf32, #tpu.memory_space<vmem_shared>>
    tpu.enqueue_indirect_dma source(%arg10 : memref<112x128xf32, #tpu.memory_space<vmem>>) target(%dma_start3A_87 : memref<10240x128xf32, #tpu.memory_space<vmem_shared>>) offsets(%dma_start3A_84 : memref<112xi32, #tpu.memory_space<vmem>>) semaphore(%arg15 : memref<!tpu.dma_semaphore, #tpu.memory_space<semaphore_mem>>) {add = true}
    %dma_wait3A_88 = arith.constant 0 : i32
    %dma_wait3A_89 = tpu.memref_slice %arg8[%dma_wait3A_88] : memref<10080xi32, #tpu.memory_space<vmem>> -> memref<112xi32, #tpu.memory_space<vmem>>
    %dma_wait3A_90 = arith.constant 0 : i32
    %dma_wait3A_91 = arith.constant 0 : i32
    %dma_wait3A_92 = tpu.memref_slice %arg11[%dma_wait3A_90, %dma_wait3A_91] : memref<10240x128xf32, #tpu.memory_space<vmem_shared>> -> memref<10240x128xf32, #tpu.memory_space<vmem_shared>>
    tpu.wait_indirect_dma semaphore(%arg15 : memref<!tpu.dma_semaphore, #tpu.memory_space<semaphore_mem>>) src(%arg10 : memref<112x128xf32, #tpu.memory_space<vmem>>) dst(%dma_wait3A_92 : memref<10240x128xf32, #tpu.memory_space<vmem_shared>>)
    %scan3A_93 = arith.constant 1 : i32
    %barrier3A_94 = arith.constant 0 : index
    tpu.barrier barrier_id(%barrier3A_94)
    %mul3A_95 = arith.constant 640 : i32
    %mul3A_96 = arith.muli %arg1, %mul3A_95 : i32
    %mul3A_97 = arith.constant 10240 : i32
    %mul3A_98 = arith.muli %arg0, %mul3A_97 : i32
    %mul3A_99 = arith.constant 640 : i32
    %mul3A_100 = arith.muli %arg1, %mul3A_99 : i32
    %add3A_101 = arith.addi %mul3A_98, %mul3A_100 : i32
    "tpu.region"() ({
      %run_scoped3A = tpu.sem_alloc : memref<!tpu.dma_semaphore, #tpu.memory_space<semaphore_mem>>
      %dma_start3A_102 = arith.constant 0 : i32
      %dma_start3A_103 = tpu.memref_slice %arg6[%add3A_101, %dma_start3A_102] : memref<20480x128xf32, #tpu.memory_space<hbm>> -> memref<640x128xf32, #tpu.memory_space<hbm>>
      %dma_start3A_104 = arith.constant 0 : i32
      %dma_start3A_105 = tpu.memref_slice %arg11[%mul3A_96, %dma_start3A_104] : memref<10240x128xf32, #tpu.memory_space<vmem_shared>> -> memref<640x128xf32, #tpu.memory_space<vmem_shared>>
      tpu.enqueue_dma source(%dma_start3A_105 : memref<640x128xf32, #tpu.memory_space<vmem_shared>>) target(%dma_start3A_103 : memref<640x128xf32, #tpu.memory_space<hbm>>) target_semaphore(%run_scoped3A : memref<!tpu.dma_semaphore, #tpu.memory_space<semaphore_mem>>)
      %dma_wait3A_106 = arith.constant 0 : i32
      %dma_wait3A_107 = tpu.memref_slice %arg6[%add3A_101, %dma_wait3A_106] : memref<20480x128xf32, #tpu.memory_space<hbm>> -> memref<640x128xf32, #tpu.memory_space<hbm>>
      %dma_wait3A_108 = arith.constant 0 : i32
      %dma_wait3A_109 = tpu.memref_slice %arg11[%mul3A_96, %dma_wait3A_108] : memref<10240x128xf32, #tpu.memory_space<vmem_shared>> -> memref<640x128xf32, #tpu.memory_space<vmem_shared>>
      tpu.wait_dma2 semaphore(%run_scoped3A : memref<!tpu.dma_semaphore, #tpu.memory_space<semaphore_mem>>) src(%dma_wait3A_109 : memref<640x128xf32, #tpu.memory_space<vmem_shared>>) dst(%dma_wait3A_107 : memref<640x128xf32, #tpu.memory_space<hbm>>)
      tpu.yield
    }) : () -> ()
    return
  }
}

#map = affine_map<(d0, d1) -> (0, 0)>
#map1 = affine_map<(d0, d1) -> (0)>
module attributes {stable_mosaic.version = 14 : i64} {
  func.func @_edge_kernel(%arg0: i32, %arg1: i32, %arg2: memref<10240x128xf32, #tpu.memory_space<hbm>>, %arg3: memref<322560xi32, #tpu.memory_space<hbm>>, %arg4: memref<322560xi32, #tpu.memory_space<hbm>>, %arg5: memref<640x128xf32, #tpu.memory_space<hbm>>, %arg6: memref<20480x128xf32, #tpu.memory_space<hbm>>, %arg7: memref<10080xi32, #tpu.memory_space<vmem>>, %arg8: memref<10080xi32, #tpu.memory_space<vmem>>, %arg9: memref<112x128xf32, #tpu.memory_space<vmem>>, %arg10: memref<112x128xf32, #tpu.memory_space<vmem>>, %arg11: memref<10240x128xf32, #tpu.memory_space<vmem_shared>>, %arg12: memref<!tpu.dma_semaphore, #tpu.memory_space<semaphore_mem>>, %arg13: memref<!tpu.dma_semaphore, #tpu.memory_space<semaphore_mem>>, %arg14: memref<!tpu.dma_semaphore, #tpu.memory_space<semaphore_mem>>, %arg15: memref<!tpu.dma_semaphore, #tpu.memory_space<semaphore_mem>>) attributes {dimension_semantics = [#tpu.dimension_semantics<core_parallel>, #tpu.dimension_semantics<subcore_parallel>], iteration_bounds = array<i64: 2, 16>, scalar_prefetch = 0 : i64, scratch_operands = 9 : i64, tpu.core_type = #tpu.core_type<sc_vector_subcore>, window_params = [{transform_indices = #map}, {transform_indices = #map1}, {transform_indices = #map1}, {transform_indices = #map}, {transform_indices = #map}]} {
    %mul3A = arith.constant 16 : i32
    %mul3A_0 = arith.muli %arg0, %mul3A : i32
    %add3A = arith.addi %mul3A_0, %arg1 : i32
    %mul3A_1 = arith.constant 640 : i32
    %mul3A_2 = arith.muli %arg1, %mul3A_1 : i32
    "tpu.region"() ({
      %run_scoped3A = tpu.sem_alloc : memref<!tpu.dma_semaphore, #tpu.memory_space<semaphore_mem>>
      %dma_start3A_102 = arith.constant 0 : i32
      %dma_start3A_103 = tpu.memref_slice %arg11[%mul3A_2, %dma_start3A_102] : memref<10240x128xf32, #tpu.memory_space<vmem_shared>> -> memref<640x128xf32, #tpu.memory_space<vmem_shared>>
      tpu.enqueue_dma source(%arg5 : memref<640x128xf32, #tpu.memory_space<hbm>>) target(%dma_start3A_103 : memref<640x128xf32, #tpu.memory_space<vmem_shared>>) target_semaphore(%run_scoped3A : memref<!tpu.dma_semaphore, #tpu.memory_space<semaphore_mem>>)
      %dma_wait3A_104 = arith.constant 0 : i32
      %dma_wait3A_105 = tpu.memref_slice %arg11[%mul3A_2, %dma_wait3A_104] : memref<10240x128xf32, #tpu.memory_space<vmem_shared>> -> memref<640x128xf32, #tpu.memory_space<vmem_shared>>
      tpu.wait_dma2 semaphore(%run_scoped3A : memref<!tpu.dma_semaphore, #tpu.memory_space<semaphore_mem>>) src(%arg5 : memref<640x128xf32, #tpu.memory_space<hbm>>) dst(%dma_wait3A_105 : memref<640x128xf32, #tpu.memory_space<vmem_shared>>)
      tpu.yield
    }) : () -> ()
    %barrier3A = arith.constant 0 : index
    tpu.barrier barrier_id(%barrier3A)
    %scan3A = arith.constant 0 : i32
    %scan3A_3 = arith.constant 0 : i32
    %mul3A_4 = arith.constant 10080 : i32
    %mul3A_5 = arith.muli %add3A, %mul3A_4 : i32
    %mul3A_6 = arith.constant 10080 : i32
    %mul3A_7 = arith.muli %scan3A_3, %mul3A_6 : i32
    %add3A_8 = arith.addi %mul3A_5, %mul3A_7 : i32
    %multiple_of3A = tpu.assume_multiple %add3A_8, 8 : i32
    "tpu.region"() ({
      %run_scoped3A = tpu.sem_alloc : memref<!tpu.dma_semaphore, #tpu.memory_space<semaphore_mem>>
      %dma_start3A_102 = tpu.memref_slice %arg3[%multiple_of3A] : memref<322560xi32, #tpu.memory_space<hbm>> -> memref<10080xi32, #tpu.memory_space<hbm>>
      %dma_start3A_103 = tpu.memref_slice %arg3[%multiple_of3A] : memref<322560xi32, #tpu.memory_space<hbm>> -> memref<10080xi32, #tpu.memory_space<hbm>>
      tpu.enqueue_dma source(%dma_start3A_103 : memref<10080xi32, #tpu.memory_space<hbm>>) target(%arg7 : memref<10080xi32, #tpu.memory_space<vmem>>) target_semaphore(%run_scoped3A : memref<!tpu.dma_semaphore, #tpu.memory_space<semaphore_mem>>)
      %dma_wait3A_104 = tpu.memref_slice %arg3[%multiple_of3A] : memref<322560xi32, #tpu.memory_space<hbm>> -> memref<10080xi32, #tpu.memory_space<hbm>>
      %dma_wait3A_105 = tpu.memref_slice %arg3[%multiple_of3A] : memref<322560xi32, #tpu.memory_space<hbm>> -> memref<10080xi32, #tpu.memory_space<hbm>>
      tpu.wait_dma2 semaphore(%run_scoped3A : memref<!tpu.dma_semaphore, #tpu.memory_space<semaphore_mem>>) src(%dma_wait3A_105 : memref<10080xi32, #tpu.memory_space<hbm>>) dst(%arg7 : memref<10080xi32, #tpu.memory_space<vmem>>)
      tpu.yield
    }) : () -> ()
    "tpu.region"() ({
      %run_scoped3A = tpu.sem_alloc : memref<!tpu.dma_semaphore, #tpu.memory_space<semaphore_mem>>
      %dma_start3A_102 = tpu.memref_slice %arg4[%multiple_of3A] : memref<322560xi32, #tpu.memory_space<hbm>> -> memref<10080xi32, #tpu.memory_space<hbm>>
      %dma_start3A_103 = tpu.memref_slice %arg4[%multiple_of3A] : memref<322560xi32, #tpu.memory_space<hbm>> -> memref<10080xi32, #tpu.memory_space<hbm>>
      tpu.enqueue_dma source(%dma_start3A_103 : memref<10080xi32, #tpu.memory_space<hbm>>) target(%arg8 : memref<10080xi32, #tpu.memory_space<vmem>>) target_semaphore(%run_scoped3A : memref<!tpu.dma_semaphore, #tpu.memory_space<semaphore_mem>>)
      %dma_wait3A_104 = tpu.memref_slice %arg4[%multiple_of3A] : memref<322560xi32, #tpu.memory_space<hbm>> -> memref<10080xi32, #tpu.memory_space<hbm>>
      %dma_wait3A_105 = tpu.memref_slice %arg4[%multiple_of3A] : memref<322560xi32, #tpu.memory_space<hbm>> -> memref<10080xi32, #tpu.memory_space<hbm>>
      tpu.wait_dma2 semaphore(%run_scoped3A : memref<!tpu.dma_semaphore, #tpu.memory_space<semaphore_mem>>) src(%dma_wait3A_105 : memref<10080xi32, #tpu.memory_space<hbm>>) dst(%arg8 : memref<10080xi32, #tpu.memory_space<vmem>>)
      tpu.yield
    }) : () -> ()
    %dma_start3A = arith.constant 0 : i32
    %dma_start3A_9 = tpu.memref_slice %arg7[%dma_start3A] : memref<10080xi32, #tpu.memory_space<vmem>> -> memref<112xi32, #tpu.memory_space<vmem>>
    %dma_start3A_10 = arith.constant 0 : i32
    %dma_start3A_11 = arith.constant 0 : i32
    %dma_start3A_12 = tpu.memref_slice %arg2[%dma_start3A_10, %dma_start3A_11] : memref<10240x128xf32, #tpu.memory_space<hbm>> -> memref<10240x128xf32, #tpu.memory_space<hbm>>
    tpu.enqueue_indirect_dma source(%dma_start3A_12 : memref<10240x128xf32, #tpu.memory_space<hbm>>) target(%arg9 : memref<112x128xf32, #tpu.memory_space<vmem>>) offsets(%dma_start3A_9 : memref<112xi32, #tpu.memory_space<vmem>>) semaphore(%arg12 : memref<!tpu.dma_semaphore, #tpu.memory_space<semaphore_mem>>)
    %dma_wait3A = arith.constant 0 : i32
    %dma_wait3A_13 = tpu.memref_slice %arg7[%dma_wait3A] : memref<10080xi32, #tpu.memory_space<vmem>> -> memref<112xi32, #tpu.memory_space<vmem>>
    %dma_wait3A_14 = arith.constant 0 : i32
    %dma_wait3A_15 = arith.constant 0 : i32
    %dma_wait3A_16 = tpu.memref_slice %arg2[%dma_wait3A_14, %dma_wait3A_15] : memref<10240x128xf32, #tpu.memory_space<hbm>> -> memref<10240x128xf32, #tpu.memory_space<hbm>>
    tpu.wait_indirect_dma semaphore(%arg12 : memref<!tpu.dma_semaphore, #tpu.memory_space<semaphore_mem>>) src(%dma_wait3A_16 : memref<10240x128xf32, #tpu.memory_space<hbm>>) dst(%arg9 : memref<112x128xf32, #tpu.memory_space<vmem>>)
    %dma_start3A_17 = arith.constant 112 : i32
    %dma_start3A_18 = tpu.memref_slice %arg7[%dma_start3A_17] : memref<10080xi32, #tpu.memory_space<vmem>> -> memref<112xi32, #tpu.memory_space<vmem>>
    %dma_start3A_19 = arith.constant 0 : i32
    %dma_start3A_20 = arith.constant 0 : i32
    %dma_start3A_21 = tpu.memref_slice %arg2[%dma_start3A_19, %dma_start3A_20] : memref<10240x128xf32, #tpu.memory_space<hbm>> -> memref<10240x128xf32, #tpu.memory_space<hbm>>
    tpu.enqueue_indirect_dma source(%dma_start3A_21 : memref<10240x128xf32, #tpu.memory_space<hbm>>) target(%arg10 : memref<112x128xf32, #tpu.memory_space<vmem>>) offsets(%dma_start3A_18 : memref<112xi32, #tpu.memory_space<vmem>>) semaphore(%arg13 : memref<!tpu.dma_semaphore, #tpu.memory_space<semaphore_mem>>)
    %dma_start3A_22 = arith.constant 0 : i32
    %dma_start3A_23 = tpu.memref_slice %arg8[%dma_start3A_22] : memref<10080xi32, #tpu.memory_space<vmem>> -> memref<112xi32, #tpu.memory_space<vmem>>
    %dma_start3A_24 = arith.constant 0 : i32
    %dma_start3A_25 = arith.constant 0 : i32
    %dma_start3A_26 = tpu.memref_slice %arg11[%dma_start3A_24, %dma_start3A_25] : memref<10240x128xf32, #tpu.memory_space<vmem_shared>> -> memref<10240x128xf32, #tpu.memory_space<vmem_shared>>
    tpu.enqueue_indirect_dma source(%arg9 : memref<112x128xf32, #tpu.memory_space<vmem>>) target(%dma_start3A_26 : memref<10240x128xf32, #tpu.memory_space<vmem_shared>>) offsets(%dma_start3A_23 : memref<112xi32, #tpu.memory_space<vmem>>) semaphore(%arg14 : memref<!tpu.dma_semaphore, #tpu.memory_space<semaphore_mem>>) {add = true}
    %scan3A_27 = arith.constant 0 : i32
    %scan3A_28 = arith.constant 0 : i32
    %scan3A_29 = arith.constant 43 : i32
    %scan3A_30 = arith.addi %scan3A_28, %scan3A_29 : i32
    %scan3A_31 = arith.constant 1 : i32
    scf.for %scan3A_102 = %scan3A_28 to %scan3A_30 step %scan3A_31  : i32 {
      %mul3A_103 = arith.constant 2 : i32
      %mul3A_104 = arith.muli %mul3A_103, %scan3A_102 : i32
      %add3A_105 = arith.constant 1 : i32
      %add3A_106 = arith.addi %mul3A_104, %add3A_105 : i32
      %dma_wait3A_107 = arith.constant 0 : i32
      %dma_wait3A_108 = tpu.memref_slice %arg7[%dma_wait3A_107] : memref<10080xi32, #tpu.memory_space<vmem>> -> memref<112xi32, #tpu.memory_space<vmem>>
      %dma_wait3A_109 = arith.constant 0 : i32
      %dma_wait3A_110 = arith.constant 0 : i32
      %dma_wait3A_111 = tpu.memref_slice %arg2[%dma_wait3A_109, %dma_wait3A_110] : memref<10240x128xf32, #tpu.memory_space<hbm>> -> memref<10240x128xf32, #tpu.memory_space<hbm>>
      tpu.wait_indirect_dma semaphore(%arg13 : memref<!tpu.dma_semaphore, #tpu.memory_space<semaphore_mem>>) src(%dma_wait3A_111 : memref<10240x128xf32, #tpu.memory_space<hbm>>) dst(%arg10 : memref<112x128xf32, #tpu.memory_space<vmem>>)
      %dma_wait3A_112 = arith.constant 0 : i32
      %dma_wait3A_113 = tpu.memref_slice %arg8[%dma_wait3A_112] : memref<10080xi32, #tpu.memory_space<vmem>> -> memref<112xi32, #tpu.memory_space<vmem>>
      %dma_wait3A_114 = arith.constant 0 : i32
      %dma_wait3A_115 = arith.constant 0 : i32
      %dma_wait3A_116 = tpu.memref_slice %arg11[%dma_wait3A_114, %dma_wait3A_115] : memref<10240x128xf32, #tpu.memory_space<vmem_shared>> -> memref<10240x128xf32, #tpu.memory_space<vmem_shared>>
      tpu.wait_indirect_dma semaphore(%arg14 : memref<!tpu.dma_semaphore, #tpu.memory_space<semaphore_mem>>) src(%arg9 : memref<112x128xf32, #tpu.memory_space<vmem>>) dst(%dma_wait3A_116 : memref<10240x128xf32, #tpu.memory_space<vmem_shared>>)
      %add3A_117 = arith.constant 1 : i32
      %add3A_118 = arith.addi %add3A_106, %add3A_117 : i32
      %mul3A_119 = arith.constant 112 : i32
      %mul3A_120 = arith.muli %add3A_118, %mul3A_119 : i32
      %dma_start3A_121 = tpu.memref_slice %arg7[%mul3A_120] : memref<10080xi32, #tpu.memory_space<vmem>> -> memref<112xi32, #tpu.memory_space<vmem>>
      %dma_start3A_122 = arith.constant 0 : i32
      %dma_start3A_123 = arith.constant 0 : i32
      %dma_start3A_124 = tpu.memref_slice %arg2[%dma_start3A_122, %dma_start3A_123] : memref<10240x128xf32, #tpu.memory_space<hbm>> -> memref<10240x128xf32, #tpu.memory_space<hbm>>
      tpu.enqueue_indirect_dma source(%dma_start3A_124 : memref<10240x128xf32, #tpu.memory_space<hbm>>) target(%arg9 : memref<112x128xf32, #tpu.memory_space<vmem>>) offsets(%dma_start3A_121 : memref<112xi32, #tpu.memory_space<vmem>>) semaphore(%arg12 : memref<!tpu.dma_semaphore, #tpu.memory_space<semaphore_mem>>)
      %mul3A_125 = arith.constant 112 : i32
      %mul3A_126 = arith.muli %add3A_106, %mul3A_125 : i32
      %dma_start3A_127 = tpu.memref_slice %arg8[%mul3A_126] : memref<10080xi32, #tpu.memory_space<vmem>> -> memref<112xi32, #tpu.memory_space<vmem>>
      %dma_start3A_128 = arith.constant 0 : i32
      %dma_start3A_129 = arith.constant 0 : i32
      %dma_start3A_130 = tpu.memref_slice %arg11[%dma_start3A_128, %dma_start3A_129] : memref<10240x128xf32, #tpu.memory_space<vmem_shared>> -> memref<10240x128xf32, #tpu.memory_space<vmem_shared>>
      tpu.enqueue_indirect_dma source(%arg10 : memref<112x128xf32, #tpu.memory_space<vmem>>) target(%dma_start3A_130 : memref<10240x128xf32, #tpu.memory_space<vmem_shared>>) offsets(%dma_start3A_127 : memref<112xi32, #tpu.memory_space<vmem>>) semaphore(%arg15 : memref<!tpu.dma_semaphore, #tpu.memory_space<semaphore_mem>>) {add = true}
      %dma_wait3A_131 = arith.constant 0 : i32
      %dma_wait3A_132 = tpu.memref_slice %arg7[%dma_wait3A_131] : memref<10080xi32, #tpu.memory_space<vmem>> -> memref<112xi32, #tpu.memory_space<vmem>>
      %dma_wait3A_133 = arith.constant 0 : i32
      %dma_wait3A_134 = arith.constant 0 : i32
      %dma_wait3A_135 = tpu.memref_slice %arg2[%dma_wait3A_133, %dma_wait3A_134] : memref<10240x128xf32, #tpu.memory_space<hbm>> -> memref<10240x128xf32, #tpu.memory_space<hbm>>
      tpu.wait_indirect_dma semaphore(%arg12 : memref<!tpu.dma_semaphore, #tpu.memory_space<semaphore_mem>>) src(%dma_wait3A_135 : memref<10240x128xf32, #tpu.memory_space<hbm>>) dst(%arg9 : memref<112x128xf32, #tpu.memory_space<vmem>>)
      %dma_wait3A_136 = arith.constant 0 : i32
      %dma_wait3A_137 = tpu.memref_slice %arg8[%dma_wait3A_136] : memref<10080xi32, #tpu.memory_space<vmem>> -> memref<112xi32, #tpu.memory_space<vmem>>
      %dma_wait3A_138 = arith.constant 0 : i32
      %dma_wait3A_139 = arith.constant 0 : i32
      %dma_wait3A_140 = tpu.memref_slice %arg11[%dma_wait3A_138, %dma_wait3A_139] : memref<10240x128xf32, #tpu.memory_space<vmem_shared>> -> memref<10240x128xf32, #tpu.memory_space<vmem_shared>>
      tpu.wait_indirect_dma semaphore(%arg15 : memref<!tpu.dma_semaphore, #tpu.memory_space<semaphore_mem>>) src(%arg10 : memref<112x128xf32, #tpu.memory_space<vmem>>) dst(%dma_wait3A_140 : memref<10240x128xf32, #tpu.memory_space<vmem_shared>>)
      %add3A_141 = arith.constant 2 : i32
      %add3A_142 = arith.addi %add3A_106, %add3A_141 : i32
      %mul3A_143 = arith.constant 112 : i32
      %mul3A_144 = arith.muli %add3A_142, %mul3A_143 : i32
      %dma_start3A_145 = tpu.memref_slice %arg7[%mul3A_144] : memref<10080xi32, #tpu.memory_space<vmem>> -> memref<112xi32, #tpu.memory_space<vmem>>
      %dma_start3A_146 = arith.constant 0 : i32
      %dma_start3A_147 = arith.constant 0 : i32
      %dma_start3A_148 = tpu.memref_slice %arg2[%dma_start3A_146, %dma_start3A_147] : memref<10240x128xf32, #tpu.memory_space<hbm>> -> memref<10240x128xf32, #tpu.memory_space<hbm>>
      tpu.enqueue_indirect_dma source(%dma_start3A_148 : memref<10240x128xf32, #tpu.memory_space<hbm>>) target(%arg10 : memref<112x128xf32, #tpu.memory_space<vmem>>) offsets(%dma_start3A_145 : memref<112xi32, #tpu.memory_space<vmem>>) semaphore(%arg13 : memref<!tpu.dma_semaphore, #tpu.memory_space<semaphore_mem>>)
      %add3A_149 = arith.constant 1 : i32
      %add3A_150 = arith.addi %add3A_106, %add3A_149 : i32
      %mul3A_151 = arith.constant 112 : i32
      %mul3A_152 = arith.muli %add3A_150, %mul3A_151 : i32
      %dma_start3A_153 = tpu.memref_slice %arg8[%mul3A_152] : memref<10080xi32, #tpu.memory_space<vmem>> -> memref<112xi32, #tpu.memory_space<vmem>>
      %dma_start3A_154 = arith.constant 0 : i32
      %dma_start3A_155 = arith.constant 0 : i32
      %dma_start3A_156 = tpu.memref_slice %arg11[%dma_start3A_154, %dma_start3A_155] : memref<10240x128xf32, #tpu.memory_space<vmem_shared>> -> memref<10240x128xf32, #tpu.memory_space<vmem_shared>>
      tpu.enqueue_indirect_dma source(%arg9 : memref<112x128xf32, #tpu.memory_space<vmem>>) target(%dma_start3A_156 : memref<10240x128xf32, #tpu.memory_space<vmem_shared>>) offsets(%dma_start3A_153 : memref<112xi32, #tpu.memory_space<vmem>>) semaphore(%arg14 : memref<!tpu.dma_semaphore, #tpu.memory_space<semaphore_mem>>) {add = true}
    }
    %scan3A_32 = arith.constant 43 : i32
    %dma_wait3A_33 = arith.constant 0 : i32
    %dma_wait3A_34 = tpu.memref_slice %arg7[%dma_wait3A_33] : memref<10080xi32, #tpu.memory_space<vmem>> -> memref<112xi32, #tpu.memory_space<vmem>>
    %dma_wait3A_35 = arith.constant 0 : i32
    %dma_wait3A_36 = arith.constant 0 : i32
    %dma_wait3A_37 = tpu.memref_slice %arg2[%dma_wait3A_35, %dma_wait3A_36] : memref<10240x128xf32, #tpu.memory_space<hbm>> -> memref<10240x128xf32, #tpu.memory_space<hbm>>
    tpu.wait_indirect_dma semaphore(%arg13 : memref<!tpu.dma_semaphore, #tpu.memory_space<semaphore_mem>>) src(%dma_wait3A_37 : memref<10240x128xf32, #tpu.memory_space<hbm>>) dst(%arg10 : memref<112x128xf32, #tpu.memory_space<vmem>>)
    %dma_wait3A_38 = arith.constant 0 : i32
    %dma_wait3A_39 = tpu.memref_slice %arg8[%dma_wait3A_38] : memref<10080xi32, #tpu.memory_space<vmem>> -> memref<112xi32, #tpu.memory_space<vmem>>
    %dma_wait3A_40 = arith.constant 0 : i32
    %dma_wait3A_41 = arith.constant 0 : i32
    %dma_wait3A_42 = tpu.memref_slice %arg11[%dma_wait3A_40, %dma_wait3A_41] : memref<10240x128xf32, #tpu.memory_space<vmem_shared>> -> memref<10240x128xf32, #tpu.memory_space<vmem_shared>>
    tpu.wait_indirect_dma semaphore(%arg14 : memref<!tpu.dma_semaphore, #tpu.memory_space<semaphore_mem>>) src(%arg9 : memref<112x128xf32, #tpu.memory_space<vmem>>) dst(%dma_wait3A_42 : memref<10240x128xf32, #tpu.memory_space<vmem_shared>>)
    %dma_start3A_43 = arith.constant 9856 : i32
    %dma_start3A_44 = tpu.memref_slice %arg7[%dma_start3A_43] : memref<10080xi32, #tpu.memory_space<vmem>> -> memref<112xi32, #tpu.memory_space<vmem>>
    %dma_start3A_45 = arith.constant 0 : i32
    %dma_start3A_46 = arith.constant 0 : i32
    %dma_start3A_47 = tpu.memref_slice %arg2[%dma_start3A_45, %dma_start3A_46] : memref<10240x128xf32, #tpu.memory_space<hbm>> -> memref<10240x128xf32, #tpu.memory_space<hbm>>
    tpu.enqueue_indirect_dma source(%dma_start3A_47 : memref<10240x128xf32, #tpu.memory_space<hbm>>) target(%arg9 : memref<112x128xf32, #tpu.memory_space<vmem>>) offsets(%dma_start3A_44 : memref<112xi32, #tpu.memory_space<vmem>>) semaphore(%arg12 : memref<!tpu.dma_semaphore, #tpu.memory_space<semaphore_mem>>)
    %dma_start3A_48 = arith.constant 9744 : i32
    %dma_start3A_49 = tpu.memref_slice %arg8[%dma_start3A_48] : memref<10080xi32, #tpu.memory_space<vmem>> -> memref<112xi32, #tpu.memory_space<vmem>>
    %dma_start3A_50 = arith.constant 0 : i32
    %dma_start3A_51 = arith.constant 0 : i32
    %dma_start3A_52 = tpu.memref_slice %arg11[%dma_start3A_50, %dma_start3A_51] : memref<10240x128xf32, #tpu.memory_space<vmem_shared>> -> memref<10240x128xf32, #tpu.memory_space<vmem_shared>>
    tpu.enqueue_indirect_dma source(%arg10 : memref<112x128xf32, #tpu.memory_space<vmem>>) target(%dma_start3A_52 : memref<10240x128xf32, #tpu.memory_space<vmem_shared>>) offsets(%dma_start3A_49 : memref<112xi32, #tpu.memory_space<vmem>>) semaphore(%arg15 : memref<!tpu.dma_semaphore, #tpu.memory_space<semaphore_mem>>) {add = true}
    %dma_wait3A_53 = arith.constant 0 : i32
    %dma_wait3A_54 = tpu.memref_slice %arg7[%dma_wait3A_53] : memref<10080xi32, #tpu.memory_space<vmem>> -> memref<112xi32, #tpu.memory_space<vmem>>
    %dma_wait3A_55 = arith.constant 0 : i32
    %dma_wait3A_56 = arith.constant 0 : i32
    %dma_wait3A_57 = tpu.memref_slice %arg2[%dma_wait3A_55, %dma_wait3A_56] : memref<10240x128xf32, #tpu.memory_space<hbm>> -> memref<10240x128xf32, #tpu.memory_space<hbm>>
    tpu.wait_indirect_dma semaphore(%arg12 : memref<!tpu.dma_semaphore, #tpu.memory_space<semaphore_mem>>) src(%dma_wait3A_57 : memref<10240x128xf32, #tpu.memory_space<hbm>>) dst(%arg9 : memref<112x128xf32, #tpu.memory_space<vmem>>)
    %dma_wait3A_58 = arith.constant 0 : i32
    %dma_wait3A_59 = tpu.memref_slice %arg8[%dma_wait3A_58] : memref<10080xi32, #tpu.memory_space<vmem>> -> memref<112xi32, #tpu.memory_space<vmem>>
    %dma_wait3A_60 = arith.constant 0 : i32
    %dma_wait3A_61 = arith.constant 0 : i32
    %dma_wait3A_62 = tpu.memref_slice %arg11[%dma_wait3A_60, %dma_wait3A_61] : memref<10240x128xf32, #tpu.memory_space<vmem_shared>> -> memref<10240x128xf32, #tpu.memory_space<vmem_shared>>
    tpu.wait_indirect_dma semaphore(%arg15 : memref<!tpu.dma_semaphore, #tpu.memory_space<semaphore_mem>>) src(%arg10 : memref<112x128xf32, #tpu.memory_space<vmem>>) dst(%dma_wait3A_62 : memref<10240x128xf32, #tpu.memory_space<vmem_shared>>)
    %dma_start3A_63 = arith.constant 9968 : i32
    %dma_start3A_64 = tpu.memref_slice %arg7[%dma_start3A_63] : memref<10080xi32, #tpu.memory_space<vmem>> -> memref<112xi32, #tpu.memory_space<vmem>>
    %dma_start3A_65 = arith.constant 0 : i32
    %dma_start3A_66 = arith.constant 0 : i32
    %dma_start3A_67 = tpu.memref_slice %arg2[%dma_start3A_65, %dma_start3A_66] : memref<10240x128xf32, #tpu.memory_space<hbm>> -> memref<10240x128xf32, #tpu.memory_space<hbm>>
    tpu.enqueue_indirect_dma source(%dma_start3A_67 : memref<10240x128xf32, #tpu.memory_space<hbm>>) target(%arg10 : memref<112x128xf32, #tpu.memory_space<vmem>>) offsets(%dma_start3A_64 : memref<112xi32, #tpu.memory_space<vmem>>) semaphore(%arg13 : memref<!tpu.dma_semaphore, #tpu.memory_space<semaphore_mem>>)
    %dma_start3A_68 = arith.constant 9856 : i32
    %dma_start3A_69 = tpu.memref_slice %arg8[%dma_start3A_68] : memref<10080xi32, #tpu.memory_space<vmem>> -> memref<112xi32, #tpu.memory_space<vmem>>
    %dma_start3A_70 = arith.constant 0 : i32
    %dma_start3A_71 = arith.constant 0 : i32
    %dma_start3A_72 = tpu.memref_slice %arg11[%dma_start3A_70, %dma_start3A_71] : memref<10240x128xf32, #tpu.memory_space<vmem_shared>> -> memref<10240x128xf32, #tpu.memory_space<vmem_shared>>
    tpu.enqueue_indirect_dma source(%arg9 : memref<112x128xf32, #tpu.memory_space<vmem>>) target(%dma_start3A_72 : memref<10240x128xf32, #tpu.memory_space<vmem_shared>>) offsets(%dma_start3A_69 : memref<112xi32, #tpu.memory_space<vmem>>) semaphore(%arg14 : memref<!tpu.dma_semaphore, #tpu.memory_space<semaphore_mem>>) {add = true}
    %dma_wait3A_73 = arith.constant 0 : i32
    %dma_wait3A_74 = tpu.memref_slice %arg7[%dma_wait3A_73] : memref<10080xi32, #tpu.memory_space<vmem>> -> memref<112xi32, #tpu.memory_space<vmem>>
    %dma_wait3A_75 = arith.constant 0 : i32
    %dma_wait3A_76 = arith.constant 0 : i32
    %dma_wait3A_77 = tpu.memref_slice %arg2[%dma_wait3A_75, %dma_wait3A_76] : memref<10240x128xf32, #tpu.memory_space<hbm>> -> memref<10240x128xf32, #tpu.memory_space<hbm>>
    tpu.wait_indirect_dma semaphore(%arg13 : memref<!tpu.dma_semaphore, #tpu.memory_space<semaphore_mem>>) src(%dma_wait3A_77 : memref<10240x128xf32, #tpu.memory_space<hbm>>) dst(%arg10 : memref<112x128xf32, #tpu.memory_space<vmem>>)
    %dma_wait3A_78 = arith.constant 0 : i32
    %dma_wait3A_79 = tpu.memref_slice %arg8[%dma_wait3A_78] : memref<10080xi32, #tpu.memory_space<vmem>> -> memref<112xi32, #tpu.memory_space<vmem>>
    %dma_wait3A_80 = arith.constant 0 : i32
    %dma_wait3A_81 = arith.constant 0 : i32
    %dma_wait3A_82 = tpu.memref_slice %arg11[%dma_wait3A_80, %dma_wait3A_81] : memref<10240x128xf32, #tpu.memory_space<vmem_shared>> -> memref<10240x128xf32, #tpu.memory_space<vmem_shared>>
    tpu.wait_indirect_dma semaphore(%arg14 : memref<!tpu.dma_semaphore, #tpu.memory_space<semaphore_mem>>) src(%arg9 : memref<112x128xf32, #tpu.memory_space<vmem>>) dst(%dma_wait3A_82 : memref<10240x128xf32, #tpu.memory_space<vmem_shared>>)
    %dma_start3A_83 = arith.constant 9968 : i32
    %dma_start3A_84 = tpu.memref_slice %arg8[%dma_start3A_83] : memref<10080xi32, #tpu.memory_space<vmem>> -> memref<112xi32, #tpu.memory_space<vmem>>
    %dma_start3A_85 = arith.constant 0 : i32
    %dma_start3A_86 = arith.constant 0 : i32
    %dma_start3A_87 = tpu.memref_slice %arg11[%dma_start3A_85, %dma_start3A_86] : memref<10240x128xf32, #tpu.memory_space<vmem_shared>> -> memref<10240x128xf32, #tpu.memory_space<vmem_shared>>
    tpu.enqueue_indirect_dma source(%arg10 : memref<112x128xf32, #tpu.memory_space<vmem>>) target(%dma_start3A_87 : memref<10240x128xf32, #tpu.memory_space<vmem_shared>>) offsets(%dma_start3A_84 : memref<112xi32, #tpu.memory_space<vmem>>) semaphore(%arg15 : memref<!tpu.dma_semaphore, #tpu.memory_space<semaphore_mem>>) {add = true}
    %dma_wait3A_88 = arith.constant 0 : i32
    %dma_wait3A_89 = tpu.memref_slice %arg8[%dma_wait3A_88] : memref<10080xi32, #tpu.memory_space<vmem>> -> memref<112xi32, #tpu.memory_space<vmem>>
    %dma_wait3A_90 = arith.constant 0 : i32
    %dma_wait3A_91 = arith.constant 0 : i32
    %dma_wait3A_92 = tpu.memref_slice %arg11[%dma_wait3A_90, %dma_wait3A_91] : memref<10240x128xf32, #tpu.memory_space<vmem_shared>> -> memref<10240x128xf32, #tpu.memory_space<vmem_shared>>
    tpu.wait_indirect_dma semaphore(%arg15 : memref<!tpu.dma_semaphore, #tpu.memory_space<semaphore_mem>>) src(%arg10 : memref<112x128xf32, #tpu.memory_space<vmem>>) dst(%dma_wait3A_92 : memref<10240x128xf32, #tpu.memory_space<vmem_shared>>)
    %scan3A_93 = arith.constant 1 : i32
    %barrier3A_94 = arith.constant 0 : index
    tpu.barrier barrier_id(%barrier3A_94)
    %mul3A_95 = arith.constant 640 : i32
    %mul3A_96 = arith.muli %arg1, %mul3A_95 : i32
    %mul3A_97 = arith.constant 10240 : i32
    %mul3A_98 = arith.muli %arg0, %mul3A_97 : i32
    %mul3A_99 = arith.constant 640 : i32
    %mul3A_100 = arith.muli %arg1, %mul3A_99 : i32
    %add3A_101 = arith.addi %mul3A_98, %mul3A_100 : i32
    "tpu.region"() ({
      %run_scoped3A = tpu.sem_alloc : memref<!tpu.dma_semaphore, #tpu.memory_space<semaphore_mem>>
      %dma_start3A_102 = arith.constant 0 : i32
      %dma_start3A_103 = tpu.memref_slice %arg6[%add3A_101, %dma_start3A_102] : memref<20480x128xf32, #tpu.memory_space<hbm>> -> memref<640x128xf32, #tpu.memory_space<hbm>>
      %dma_start3A_104 = arith.constant 0 : i32
      %dma_start3A_105 = tpu.memref_slice %arg11[%mul3A_96, %dma_start3A_104] : memref<10240x128xf32, #tpu.memory_space<vmem_shared>> -> memref<640x128xf32, #tpu.memory_space<vmem_shared>>
      tpu.enqueue_dma source(%dma_start3A_105 : memref<640x128xf32, #tpu.memory_space<vmem_shared>>) target(%dma_start3A_103 : memref<640x128xf32, #tpu.memory_space<hbm>>) target_semaphore(%run_scoped3A : memref<!tpu.dma_semaphore, #tpu.memory_space<semaphore_mem>>)
      %dma_wait3A_106 = arith.constant 0 : i32
      %dma_wait3A_107 = tpu.memref_slice %arg6[%add3A_101, %dma_wait3A_106] : memref<20480x128xf32, #tpu.memory_space<hbm>> -> memref<640x128xf32, #tpu.memory_space<hbm>>
      %dma_wait3A_108 = arith.constant 0 : i32
      %dma_wait3A_109 = tpu.memref_slice %arg11[%mul3A_96, %dma_wait3A_108] : memref<10240x128xf32, #tpu.memory_space<vmem_shared>> -> memref<640x128xf32, #tpu.memory_space<vmem_shared>>
      tpu.wait_dma2 semaphore(%run_scoped3A : memref<!tpu.dma_semaphore, #tpu.memory_space<semaphore_mem>>) src(%dma_wait3A_109 : memref<640x128xf32, #tpu.memory_space<vmem_shared>>) dst(%dma_wait3A_107 : memref<640x128xf32, #tpu.memory_space<hbm>>)
      tpu.yield
    }) : () -> ()
    return
  }
}

module attributes {stable_mosaic.version = 14 : i64} {
  func.func @_mm1_body(%arg0: i32, %arg1: memref<1024x128xf32, #tpu.memory_space<vmem>>, %arg2: memref<2x1024x16xf32, #tpu.memory_space<vmem>>, %arg3: memref<128x128xf32, #tpu.memory_space<vmem>>, %arg4: memref<1024x128xf32, #tpu.memory_space<vmem>>) attributes {dimension_semantics = [#tpu.dimension_semantics<arbitrary>], iteration_bounds = array<i64: 10>, scalar_prefetch = 0 : i64, scratch_operands = 0 : i64, tpu.core_type = #tpu.core_type<tc>, window_params = [{transform_indices = @transform_0, window_bounds = array<i64: 1024, 128>}, {transform_indices = @transform_1, window_bounds = array<i64: 2, 1024, 16>}, {pipeline_mode = #tpu.pipeline_mode<synchronous>, transform_indices = @transform_2, window_bounds = array<i64: 128, 128>}, {transform_indices = @transform_3, window_bounds = array<i64: 1024, 128>}]} {
    %get3A = arith.constant 0 : index
    %get3A_0 = arith.constant 0 : index
    %get3A_1 = arith.constant 0 : index
    %get3A_2 = vector.load %arg2[%get3A, %get3A_0, %get3A_1] : memref<2x1024x16xf32, #tpu.memory_space<vmem>>, vector<2x1024x16xf32>
    %slice3A = vector.extract_strided_slice %get3A_2 {offsets = [0, 0, 0], sizes = [1, 1024, 16], strides = [1, 1, 1]} : vector<2x1024x16xf32> to vector<1x1024x16xf32>
    %squeeze3A = vector.shape_cast %slice3A : vector<1x1024x16xf32> to vector<1024x16xf32>
    %slice3A_3 = vector.extract_strided_slice %get3A_2 {offsets = [1, 0, 0], sizes = [1, 1024, 16], strides = [1, 1, 1]} : vector<2x1024x16xf32> to vector<1x1024x16xf32>
    %squeeze3A_4 = vector.shape_cast %slice3A_3 : vector<1x1024x16xf32> to vector<1024x16xf32>
    %add3A = arith.addf %squeeze3A, %squeeze3A_4 : vector<1024x16xf32>
    %reduce_sum3A = arith.constant dense<0.000000e+00> : vector<1024xf32>
    %reduce_sum3A_5 = vector.multi_reduction <add>, %add3A, %reduce_sum3A [1] : vector<1024x16xf32> to vector<1024xf32>
    %broadcast_in_dim3A = vector.shape_cast %reduce_sum3A_5 : vector<1024xf32> to vector<1024x1xf32>
    %add3A_6 = arith.constant 1.000000e+00 : f32
    %add3A_7 = vector.broadcast %add3A_6 : f32 to vector<1024x1xf32>
    %add3A_8 = arith.addf %broadcast_in_dim3A, %add3A_7 : vector<1024x1xf32>
    %rsqrt3A = math.rsqrt %add3A_8 : vector<1024x1xf32>
    %get3A_9 = arith.constant 0 : index
    %get3A_10 = arith.constant 0 : index
    %get3A_11 = vector.load %arg1[%get3A_9, %get3A_10] : memref<1024x128xf32, #tpu.memory_space<vmem>>, vector<1024x128xf32>
    %get3A_12 = arith.constant 0 : index
    %get3A_13 = arith.constant 0 : index
    %get3A_14 = vector.load %arg3[%get3A_12, %get3A_13] : memref<128x128xf32, #tpu.memory_space<vmem>>, vector<128x128xf32>
    %dot_general3A = arith.constant dense<0.000000e+00> : vector<1024x128xf32>
    %dot_general3A_15 = tpu.matmul %get3A_11, %get3A_14, %dot_general3A {dimension_numbers = #tpu.dot_dimension_numbers<[1], [0], [0], [1], [0, 0, 1, 1], [], []>, transpose_lhs_hint = false} : vector<1024x128xf32>, vector<128x128xf32>, vector<1024x128xf32> -> vector<1024x128xf32>
    %mul3A = vector.broadcast %rsqrt3A : vector<1024x1xf32> to vector<1024x128xf32>
    %mul3A_16 = arith.mulf %dot_general3A_15, %mul3A : vector<1024x128xf32>
    %swap3A = arith.constant 0 : index
    %swap3A_17 = arith.constant 0 : index
    %swap3A_18 = vector.load %arg4[%swap3A, %swap3A_17] : memref<1024x128xf32, #tpu.memory_space<vmem>>, vector<1024x128xf32>
    tpu.vector_store %arg4[%swap3A, %swap3A_17], %mul3A_16 {strides = array<i32>} : memref<1024x128xf32, #tpu.memory_space<vmem>>, vector<1024x128xf32>,
    return
  }
  func.func @transform_0(%arg0: i32) -> (i32, i32) {
    %c0_i32 = arith.constant 0 : i32
    %c0_i32_0 = arith.constant 0 : i32
    return %arg0, %c0_i32 : i32, i32
  }
  func.func @transform_1(%arg0: i32) -> (i32, i32, i32) {
    %c0_i32 = arith.constant 0 : i32
    %c0_i32_0 = arith.constant 0 : i32
    %c0_i32_1 = arith.constant 0 : i32
    return %c0_i32, %arg0, %c0_i32_0 : i32, i32, i32
  }
  func.func @transform_2(%arg0: i32) -> (i32, i32) {
    %c0_i32 = arith.constant 0 : i32
    %c0_i32_0 = arith.constant 0 : i32
    %c0_i32_1 = arith.constant 0 : i32
    return %c0_i32, %c0_i32_0 : i32, i32
  }
  func.func @transform_3(%arg0: i32) -> (i32, i32) {
    %c0_i32 = arith.constant 0 : i32
    %c0_i32_0 = arith.constant 0 : i32
    return %arg0, %c0_i32 : i32, i32
  }
}

module attributes {stable_mosaic.version = 14 : i64} {
  func.func @_mm2_body(%arg0: i32, %arg1: memref<2x1024x128xf32, #tpu.memory_space<vmem>>, %arg2: memref<1024x128xf32, #tpu.memory_space<vmem>>, %arg3: memref<2x1024x16xf32, #tpu.memory_space<vmem>>, %arg4: memref<1x128xf32, #tpu.memory_space<vmem>>, %arg5: memref<128x128xf32, #tpu.memory_space<vmem>>, %arg6: memref<1024x128xf32, #tpu.memory_space<vmem>>) attributes {dimension_semantics = [#tpu.dimension_semantics<arbitrary>], iteration_bounds = array<i64: 10>, scalar_prefetch = 0 : i64, scratch_operands = 0 : i64, tpu.core_type = #tpu.core_type<tc>, window_params = [{transform_indices = @transform_0, window_bounds = array<i64: 2, 1024, 128>}, {transform_indices = @transform_1, window_bounds = array<i64: 1024, 128>}, {transform_indices = @transform_2, window_bounds = array<i64: 2, 1024, 16>}, {pipeline_mode = #tpu.pipeline_mode<synchronous>, transform_indices = @transform_3, window_bounds = array<i64: 1, 128>}, {pipeline_mode = #tpu.pipeline_mode<synchronous>, transform_indices = @transform_4, window_bounds = array<i64: 128, 128>}, {transform_indices = @transform_5, window_bounds = array<i64: 1024, 128>}]} {
    %get3A = arith.constant 0 : index
    %get3A_0 = arith.constant 0 : index
    %get3A_1 = arith.constant 0 : index
    %get3A_2 = vector.load %arg3[%get3A, %get3A_0, %get3A_1] : memref<2x1024x16xf32, #tpu.memory_space<vmem>>, vector<2x1024x16xf32>
    %slice3A = vector.extract_strided_slice %get3A_2 {offsets = [0, 0, 0], sizes = [1, 1024, 16], strides = [1, 1, 1]} : vector<2x1024x16xf32> to vector<1x1024x16xf32>
    %squeeze3A = vector.shape_cast %slice3A : vector<1x1024x16xf32> to vector<1024x16xf32>
    %slice3A_3 = vector.extract_strided_slice %get3A_2 {offsets = [1, 0, 0], sizes = [1, 1024, 16], strides = [1, 1, 1]} : vector<2x1024x16xf32> to vector<1x1024x16xf32>
    %squeeze3A_4 = vector.shape_cast %slice3A_3 : vector<1x1024x16xf32> to vector<1024x16xf32>
    %add3A = arith.addf %squeeze3A, %squeeze3A_4 : vector<1024x16xf32>
    %reduce_sum3A = arith.constant dense<0.000000e+00> : vector<1024xf32>
    %reduce_sum3A_5 = vector.multi_reduction <add>, %add3A, %reduce_sum3A [1] : vector<1024x16xf32> to vector<1024xf32>
    %broadcast_in_dim3A = vector.shape_cast %reduce_sum3A_5 : vector<1024xf32> to vector<1024x1xf32>
    %add3A_6 = arith.constant 1.000000e+00 : f32
    %add3A_7 = vector.broadcast %add3A_6 : f32 to vector<1024x1xf32>
    %add3A_8 = arith.addf %broadcast_in_dim3A, %add3A_7 : vector<1024x1xf32>
    %rsqrt3A = math.rsqrt %add3A_8 : vector<1024x1xf32>
    %get3A_9 = arith.constant 0 : index
    %get3A_10 = arith.constant 0 : index
    %get3A_11 = arith.constant 0 : index
    %get3A_12 = vector.load %arg1[%get3A_9, %get3A_10, %get3A_11] : memref<2x1024x128xf32, #tpu.memory_space<vmem>>, vector<1x1024x128xf32>
    %get3A_13 = vector.shape_cast %get3A_12 : vector<1x1024x128xf32> to vector<1024x128xf32>
    %get3A_14 = arith.constant 1 : index
    %get3A_15 = arith.constant 0 : index
    %get3A_16 = arith.constant 0 : index
    %get3A_17 = vector.load %arg1[%get3A_14, %get3A_15, %get3A_16] : memref<2x1024x128xf32, #tpu.memory_space<vmem>>, vector<1x1024x128xf32>
    %get3A_18 = vector.shape_cast %get3A_17 : vector<1x1024x128xf32> to vector<1024x128xf32>
    %add3A_19 = arith.addf %get3A_13, %get3A_18 : vector<1024x128xf32>
    %get3A_20 = arith.constant 0 : index
    %get3A_21 = arith.constant 0 : index
    %get3A_22 = vector.load %arg2[%get3A_20, %get3A_21] : memref<1024x128xf32, #tpu.memory_space<vmem>>, vector<1024x128xf32>
    %add3A_23 = arith.addf %add3A_19, %get3A_22 : vector<1024x128xf32>
    %mul3A = vector.broadcast %rsqrt3A : vector<1024x1xf32> to vector<1024x128xf32>
    %mul3A_24 = arith.mulf %add3A_23, %mul3A : vector<1024x128xf32>
    %get3A_25 = arith.constant 0 : index
    %get3A_26 = arith.constant 0 : index
    %get3A_27 = vector.load %arg4[%get3A_25, %get3A_26] : memref<1x128xf32, #tpu.memory_space<vmem>>, vector<1x128xf32>
    %add3A_28 = vector.broadcast %get3A_27 : vector<1x128xf32> to vector<1024x128xf32>
    %add3A_29 = arith.addf %mul3A_24, %add3A_28 : vector<1024x128xf32>
    %max3A = arith.constant 0.000000e+00 : f32
    %max3A_30 = vector.broadcast %max3A : f32 to vector<1024x128xf32>
    %max3A_31 = arith.maximumf %add3A_29, %max3A_30 : vector<1024x128xf32>
    %get3A_32 = arith.constant 0 : index
    %get3A_33 = arith.constant 0 : index
    %get3A_34 = vector.load %arg5[%get3A_32, %get3A_33] : memref<128x128xf32, #tpu.memory_space<vmem>>, vector<128x128xf32>
    %dot_general3A = arith.constant dense<0.000000e+00> : vector<1024x128xf32>
    %dot_general3A_35 = tpu.matmul %max3A_31, %get3A_34, %dot_general3A {dimension_numbers = #tpu.dot_dimension_numbers<[1], [0], [0], [1], [0, 0, 1, 1], [], []>, transpose_lhs_hint = false} : vector<1024x128xf32>, vector<128x128xf32>, vector<1024x128xf32> -> vector<1024x128xf32>
    %mul3A_36 = vector.broadcast %rsqrt3A : vector<1024x1xf32> to vector<1024x128xf32>
    %mul3A_37 = arith.mulf %dot_general3A_35, %mul3A_36 : vector<1024x128xf32>
    %swap3A = arith.constant 0 : index
    %swap3A_38 = arith.constant 0 : index
    %swap3A_39 = vector.load %arg6[%swap3A, %swap3A_38] : memref<1024x128xf32, #tpu.memory_space<vmem>>, vector<1024x128xf32>
    tpu.vector_store %arg6[%swap3A, %swap3A_38], %mul3A_37 {strides = array<i32>} : memref<1024x128xf32, #tpu.memory_space<vmem>>, vector<1024x128xf32>,
    return
  }
  func.func @transform_0(%arg0: i32) -> (i32, i32, i32) {
    %c0_i32 = arith.constant 0 : i32
    %c0_i32_0 = arith.constant 0 : i32
    %c0_i32_1 = arith.constant 0 : i32
    return %c0_i32, %arg0, %c0_i32_0 : i32, i32, i32
  }
  func.func @transform_1(%arg0: i32) -> (i32, i32) {
    %c0_i32 = arith.constant 0 : i32
    %c0_i32_0 = arith.constant 0 : i32
    return %arg0, %c0_i32 : i32, i32
  }
  func.func @transform_2(%arg0: i32) -> (i32, i32, i32) {
    %c0_i32 = arith.constant 0 : i32
    %c0_i32_0 = arith.constant 0 : i32
    %c0_i32_1 = arith.constant 0 : i32
    return %c0_i32, %arg0, %c0_i32_0 : i32, i32, i32
  }
  func.func @transform_3(%arg0: i32) -> (i32, i32) {
    %c0_i32 = arith.constant 0 : i32
    %c0_i32_0 = arith.constant 0 : i32
    %c0_i32_1 = arith.constant 0 : i32
    return %c0_i32, %c0_i32_0 : i32, i32
  }
  func.func @transform_4(%arg0: i32) -> (i32, i32) {
    %c0_i32 = arith.constant 0 : i32
    %c0_i32_0 = arith.constant 0 : i32
    %c0_i32_1 = arith.constant 0 : i32
    return %c0_i32, %c0_i32_0 : i32, i32
  }
  func.func @transform_5(%arg0: i32) -> (i32, i32) {
    %c0_i32 = arith.constant 0 : i32
    %c0_i32_0 = arith.constant 0 : i32
    return %arg0, %c0_i32 : i32, i32
  }
}

module attributes {stable_mosaic.version = 14 : i64} {
  func.func @_fin_body(%arg0: i32, %arg1: memref<2x1024x128xf32, #tpu.memory_space<vmem>>, %arg2: memref<1024x128xf32, #tpu.memory_space<vmem>>, %arg3: memref<2x1024x16xf32, #tpu.memory_space<vmem>>, %arg4: memref<1x128xf32, #tpu.memory_space<vmem>>, %arg5: memref<128x10xf32, #tpu.memory_space<vmem>>, %arg6: memref<1x10xf32, #tpu.memory_space<vmem>>, %arg7: memref<1x10xf32, #tpu.memory_space<vmem>>) attributes {dimension_semantics = [#tpu.dimension_semantics<arbitrary>], iteration_bounds = array<i64: 10>, scalar_prefetch = 0 : i64, scratch_operands = 0 : i64, tpu.core_type = #tpu.core_type<tc>, window_params = [{transform_indices = @transform_0, window_bounds = array<i64: 2, 1024, 128>}, {transform_indices = @transform_1, window_bounds = array<i64: 1024, 128>}, {transform_indices = @transform_2, window_bounds = array<i64: 2, 1024, 16>}, {pipeline_mode = #tpu.pipeline_mode<synchronous>, transform_indices = @transform_3, window_bounds = array<i64: 1, 128>}, {pipeline_mode = #tpu.pipeline_mode<synchronous>, transform_indices = @transform_4, window_bounds = array<i64: 128, 10>}, {pipeline_mode = #tpu.pipeline_mode<synchronous>, transform_indices = @transform_5, window_bounds = array<i64: 1, 10>}, {pipeline_mode = #tpu.pipeline_mode<synchronous>, transform_indices = @transform_6, window_bounds = array<i64: 1, 10>}]} {
    %get3A = arith.constant 0 : index
    %get3A_0 = arith.constant 0 : index
    %get3A_1 = arith.constant 0 : index
    %get3A_2 = vector.load %arg3[%get3A, %get3A_0, %get3A_1] : memref<2x1024x16xf32, #tpu.memory_space<vmem>>, vector<2x1024x16xf32>
    %slice3A = vector.extract_strided_slice %get3A_2 {offsets = [0, 0, 0], sizes = [1, 1024, 16], strides = [1, 1, 1]} : vector<2x1024x16xf32> to vector<1x1024x16xf32>
    %squeeze3A = vector.shape_cast %slice3A : vector<1x1024x16xf32> to vector<1024x16xf32>
    %slice3A_3 = vector.extract_strided_slice %get3A_2 {offsets = [1, 0, 0], sizes = [1, 1024, 16], strides = [1, 1, 1]} : vector<2x1024x16xf32> to vector<1x1024x16xf32>
    %squeeze3A_4 = vector.shape_cast %slice3A_3 : vector<1x1024x16xf32> to vector<1024x16xf32>
    %add3A = arith.addf %squeeze3A, %squeeze3A_4 : vector<1024x16xf32>
    %reduce_sum3A = arith.constant dense<0.000000e+00> : vector<1024xf32>
    %reduce_sum3A_5 = vector.multi_reduction <add>, %add3A, %reduce_sum3A [1] : vector<1024x16xf32> to vector<1024xf32>
    %broadcast_in_dim3A = vector.shape_cast %reduce_sum3A_5 : vector<1024xf32> to vector<1024x1xf32>
    %add3A_6 = arith.constant 1.000000e+00 : f32
    %add3A_7 = vector.broadcast %add3A_6 : f32 to vector<1024x1xf32>
    %add3A_8 = arith.addf %broadcast_in_dim3A, %add3A_7 : vector<1024x1xf32>
    %rsqrt3A = math.rsqrt %add3A_8 : vector<1024x1xf32>
    %get3A_9 = arith.constant 0 : index
    %get3A_10 = arith.constant 0 : index
    %get3A_11 = arith.constant 0 : index
    %get3A_12 = vector.load %arg1[%get3A_9, %get3A_10, %get3A_11] : memref<2x1024x128xf32, #tpu.memory_space<vmem>>, vector<1x1024x128xf32>
    %get3A_13 = vector.shape_cast %get3A_12 : vector<1x1024x128xf32> to vector<1024x128xf32>
    %get3A_14 = arith.constant 1 : index
    %get3A_15 = arith.constant 0 : index
    %get3A_16 = arith.constant 0 : index
    %get3A_17 = vector.load %arg1[%get3A_14, %get3A_15, %get3A_16] : memref<2x1024x128xf32, #tpu.memory_space<vmem>>, vector<1x1024x128xf32>
    %get3A_18 = vector.shape_cast %get3A_17 : vector<1x1024x128xf32> to vector<1024x128xf32>
    %add3A_19 = arith.addf %get3A_13, %get3A_18 : vector<1024x128xf32>
    %get3A_20 = arith.constant 0 : index
    %get3A_21 = arith.constant 0 : index
    %get3A_22 = vector.load %arg2[%get3A_20, %get3A_21] : memref<1024x128xf32, #tpu.memory_space<vmem>>, vector<1024x128xf32>
    %add3A_23 = arith.addf %add3A_19, %get3A_22 : vector<1024x128xf32>
    %mul3A = vector.broadcast %rsqrt3A : vector<1024x1xf32> to vector<1024x128xf32>
    %mul3A_24 = arith.mulf %add3A_23, %mul3A : vector<1024x128xf32>
    %get3A_25 = arith.constant 0 : index
    %get3A_26 = arith.constant 0 : index
    %get3A_27 = vector.load %arg4[%get3A_25, %get3A_26] : memref<1x128xf32, #tpu.memory_space<vmem>>, vector<1x128xf32>
    %add3A_28 = vector.broadcast %get3A_27 : vector<1x128xf32> to vector<1024x128xf32>
    %add3A_29 = arith.addf %mul3A_24, %add3A_28 : vector<1024x128xf32>
    %max3A = arith.constant 0.000000e+00 : f32
    %max3A_30 = vector.broadcast %max3A : f32 to vector<1024x128xf32>
    %max3A_31 = arith.maximumf %add3A_29, %max3A_30 : vector<1024x128xf32>
    %iota3A = tpu.iota {dimensions = array<i32: 0>} : vector<1024x128xi32>
    %mul3A_32 = arith.constant 1024 : i32
    %mul3A_33 = arith.muli %arg0, %mul3A_32 : i32
    %add3A_34 = vector.broadcast %mul3A_33 : i32 to vector<1024x128xi32>
    %add3A_35 = arith.addi %iota3A, %add3A_34 : vector<1024x128xi32>
    %lt3A = arith.constant 10000 : i32
    %lt3A_36 = vector.broadcast %lt3A : i32 to vector<1024x128xi32>
    %lt3A_37 = arith.cmpi slt, %add3A_35, %lt3A_36 : vector<1024x128xi32>
    %jit3A = arith.constant 0.000000e+00 : f32
    %broadcast_in_dim3A_38 = vector.broadcast %jit3A : f32 to vector<1024x128xf32>
    %select_n3A = arith.select %lt3A_37, %max3A_31, %broadcast_in_dim3A_38 : vector<1024x128xi1>, vector<1024x128xf32>
    %reduce_sum3A_39 = arith.constant dense<0.000000e+00> : vector<128xf32>
    %reduce_sum3A_40 = vector.multi_reduction <add>, %select_n3A, %reduce_sum3A_39 [0] : vector<1024x128xf32> to vector<128xf32>
    %broadcast_in_dim3A_41 = vector.shape_cast %reduce_sum3A_40 : vector<128xf32> to vector<1x128xf32>
    %mul3A_42 = arith.constant 9.99999974E-5 : f32
    %mul3A_43 = vector.broadcast %mul3A_42 : f32 to vector<1x128xf32>
    %mul3A_44 = arith.mulf %broadcast_in_dim3A_41, %mul3A_43 : vector<1x128xf32>
    %eq3A = arith.constant 0 : i32
    %eq3A_45 = arith.cmpi eq, %arg0, %eq3A : i32
    %convert_element_type3A = arith.extui %eq3A_45 : i1 to i32
    %cond3A = arith.constant 0 : i32
    %cond3A_46 = arith.cmpi ne, %convert_element_type3A, %cond3A : i32
    scf.if %cond3A_46 {
      %get3A_57 = arith.constant 0 : index
      %get3A_58 = arith.constant 0 : index
      %get3A_59 = vector.load %arg6[%get3A_57, %get3A_58] : memref<1x10xf32, #tpu.memory_space<vmem>>, vector<1x10xf32>
      %swap3A_60 = arith.constant 0 : index
      %swap3A_61 = arith.constant 0 : index
      %swap3A_62 = vector.load %arg7[%swap3A_60, %swap3A_61] : memref<1x10xf32, #tpu.memory_space<vmem>>, vector<1x10xf32>
      tpu.vector_store %arg7[%swap3A_60, %swap3A_61], %get3A_59 {strides = array<i32>} : memref<1x10xf32, #tpu.memory_space<vmem>>, vector<1x10xf32>,
    } else {
    }
    %get3A_47 = arith.constant 0 : index
    %get3A_48 = arith.constant 0 : index
    %get3A_49 = vector.load %arg7[%get3A_47, %get3A_48] : memref<1x10xf32, #tpu.memory_space<vmem>>, vector<1x10xf32>
    %get3A_50 = arith.constant 0 : index
    %get3A_51 = arith.constant 0 : index
    %get3A_52 = vector.load %arg5[%get3A_50, %get3A_51] : memref<128x10xf32, #tpu.memory_space<vmem>>, vector<128x10xf32>
    %dot_general3A = arith.constant dense<0.000000e+00> : vector<1x10xf32>
    %dot_general3A_53 = tpu.matmul %mul3A_44, %get3A_52, %dot_general3A {dimension_numbers = #tpu.dot_dimension_numbers<[1], [0], [0], [1], [0, 0, 1, 1], [], []>, transpose_lhs_hint = false} : vector<1x128xf32>, vector<128x10xf32>, vector<1x10xf32> -> vector<1x10xf32>
    %add3A_54 = arith.addf %get3A_49, %dot_general3A_53 : vector<1x10xf32>
    %swap3A = arith.constant 0 : index
    %swap3A_55 = arith.constant 0 : index
    %swap3A_56 = vector.load %arg7[%swap3A, %swap3A_55] : memref<1x10xf32, #tpu.memory_space<vmem>>, vector<1x10xf32>
    tpu.vector_store %arg7[%swap3A, %swap3A_55], %add3A_54 {strides = array<i32>} : memref<1x10xf32, #tpu.memory_space<vmem>>, vector<1x10xf32>,
    return
  }
  func.func @transform_0(%arg0: i32) -> (i32, i32, i32) {
    %c0_i32 = arith.constant 0 : i32
    %c0_i32_0 = arith.constant 0 : i32
    %c0_i32_1 = arith.constant 0 : i32
    return %c0_i32, %arg0, %c0_i32_0 : i32, i32, i32
  }
  func.func @transform_1(%arg0: i32) -> (i32, i32) {
    %c0_i32 = arith.constant 0 : i32
    %c0_i32_0 = arith.constant 0 : i32
    return %arg0, %c0_i32 : i32, i32
  }
  func.func @transform_2(%arg0: i32) -> (i32, i32, i32) {
    %c0_i32 = arith.constant 0 : i32
    %c0_i32_0 = arith.constant 0 : i32
    %c0_i32_1 = arith.constant 0 : i32
    return %c0_i32, %arg0, %c0_i32_0 : i32, i32, i32
  }
  func.func @transform_3(%arg0: i32) -> (i32, i32) {
    %c0_i32 = arith.constant 0 : i32
    %c0_i32_0 = arith.constant 0 : i32
    %c0_i32_1 = arith.constant 0 : i32
    return %c0_i32, %c0_i32_0 : i32, i32
  }
  func.func @transform_4(%arg0: i32) -> (i32, i32) {
    %c0_i32 = arith.constant 0 : i32
    %c0_i32_0 = arith.constant 0 : i32
    %c0_i32_1 = arith.constant 0 : i32
    return %c0_i32, %c0_i32_0 : i32, i32
  }
  func.func @transform_5(%arg0: i32) -> (i32, i32) {
    %c0_i32 = arith.constant 0 : i32
    %c0_i32_0 = arith.constant 0 : i32
    %c0_i32_1 = arith.constant 0 : i32
    return %c0_i32, %c0_i32_0 : i32, i32
  }
  func.func @transform_6(%arg0: i32) -> (i32, i32) {
    %c0_i32 = arith.constant 0 : i32
    %c0_i32_0 = arith.constant 0 : i32
    %c0_i32_1 = arith.constant 0 : i32
    return %c0_i32, %c0_i32_0 : i32, i32
  }
}

</mosaic_0001>

<sc_bundles>
// kernel: kernel.11.cloned.1.call-start
scs
__scs_entry_jumppad:
0x0: {  	(pc) =	sbr.rel $0x88, $3  }
0x1: {  	(tag) =	ssettag $0x0;
	lr =	simm.s32 $0x1  }
0x2: {  	[smem:$0x3F99] =	sst lr;
	_ =	strace $0xD0000000  }
0x3: {  	_ = 	snop  }
0x4: {  	_ = 	snop  }
0x5: {  	_ = 	snop  }
0x6: {  	_ = 	snop  }
0x7: {  	_ = 	snop  }
__scs_overlays_trampoline_lowered:
0x8: {  	[smem:$0x3FA8] =	sst s0  }
0x9: {  	[smem:$0x3FA9] =	sst s1  }
0xa: {  	[smem:$0x3FAA] =	sst s2  }
0xb: {  	[smem:$0x3FAB] =	sst s3  }
0xc: {  	[smem:$0x3FAC] =	sst s4  }
0xd: {  	[smem:$0x3FAD] =	sst s5  }
0xe: {  	[smem:$0x3FAE] =	sst s6  }
0xf: {  	[smem:$0x3FAF] =	sst s7  }
0x10: {  	[smem:$0x3FB0] =	sst s8  }
0x11: {  	[smem:$0x3FB1] =	sst s9;
	s0 =	simm.s32 @!p0 $0x0  }
0x12: {  	s1 =	sld [smem:$0x3F97];
	s0 =	simm.s32 @p0 $0x1  }
0x13: {  	[smem:$0x3FB2] =	sst s0;
	s0 =	simm.s32 @!p1 $0x0  }
0x14: {  	s2 =	sld [smem:$0x3F96];
	s0 =	simm.s32 @p1 $0x1  }
0x15: {  	[smem:$0x3FB3] =	sst s0;
	s0 =	simm.s32 @!p2 $0x0  }
0x16: {  	s3 =	sld [smem:$0x3FDB];
	s0 =	simm.s32 @p2 $0x1  }
0x17: {  	s4 =	simm.s32 $0x1BF5;
	[smem:$0x3FB5] =	sst s0  }
0x18: {  	s0 =	sld [smem:$0x3F98];
	_ =	swait.ge [sflag:s4], $0x0  }
0x19: {  	s7 =	sld [smem:$0x3F99]  }
0x1a: {  	s8 =	sadd.s32 $0xFFFFE003, lr  }
0x1b: {  	s9 =	sadd.s32 $0xFFFFFEF7, lr;
	s5 =	simm.s32 $0xFFFFFFFF;
	p2 =	slt.u32 s8, $0xFFFFF086  }
0x1c: {  	p1 =	slt.u32 s9, $0xF7A;
	s5 =	simm.s32 @!p2 $0x0  }
0x1d: {  	s5 =	simm.s32 @p1 $0x1;
	p0 =	seq.s32 s7, s2  }
0x1e: {  	s7 =	smul.u32 @!p0 $0xF7A, s2;
	p2 =	seq.s32 @!p0 s5, $0x0  }
0x1f: {  	s9 =	smul.u32 $0xF7A, s1;
	s8 =	simm.s32 @!p0 $0x1BF5;
	p2 =	por !p2, p0  }
0x20: {  	[sflag:s8] =	ssyncset.s32 @!p0 $0xFFFFF086;
	s6 =	sadd.s32 @!p0 s3, s7;
	s7 =	simm.s32 @!p0 $0x108  }
0x21: {  	s3 =	sadd.s32 s3, s9;
	s6 =	sadd.s32 @!p0 $0x88, s6;
	s7 =	simm.s32 @p2 $0x1082  }
0x22: {  	[simem:s7], [sflag:s8] =	dma.local @!p0 [hbm:s6], $0xF7A  }
0x23: {  	s9 =	sor.u32 $0xD0000000, s2;
	s6 =	simm.s32 $0x108;
	_ =	swait.ge @!p0 [sflag:s8], $0x0  }
0x24: {  	s3 =	sadd.s32 $0x88, s3;
	s6 =	simm.s32 @!p1 $0x1082;
	[sflag:s4] =	ssyncset.s32 $0xFFFFF086  }
0x25: {  	[simem:s6], [sflag:s4] =	dma.local [hbm:s3], $0xF7A  }
0x26: {  	[smem:$0x3F99] =	sst s1;
	(tag) =	ssettag s2;
	_ =	strace s9  }
0x27: {  	s1 =	sld [smem:$0x3FA9]  }
0x28: {  	s2 =	sld [smem:$0x3FAA]  }
0x29: {  	s4 =	sld [smem:$0x3FAC]  }
0x2a: {  	p0 =	seq.s32 s5, $0x0;
	s5 =	sld [smem:$0x3FAD]  }
0x2b: {  	s6 =	sld [smem:$0x3FAE]  }
0x2c: {  	s7 =	sld [smem:$0x3FAF]  }
0x2d: {  	s3 =	simm.s32 $0x108;
	s8 =	sld [smem:$0x3FB0]  }
0x2e: {  	s3 =	simm.s32 @!p0 $0x1082;
	s9 =	sld [smem:$0x3FB1]  }
0x2f: {  	lr =	sadd.s32 s0, s3;
	s0 =	sld [smem:$0x3FA8]  }
0x30: {  	s3 =	sld [smem:$0x3FAB]  }
0x31: {  	[smem:$0x3FB4] =	sst s10  }
0x32: {  	s10 =	sld [smem:$0x3FB2];
	_ =	sdelay $0x3  }
0x33: {  	p0 =	seq.s32 s10, $0x1;
	s10 =	sld [smem:$0x3FB4];
	_ =	sdelay $0x3  }
0x34: {  	[smem:$0x3FB4] =	sst s10  }
0x35: {  	s10 =	sld [smem:$0x3FB3];
	_ =	sdelay $0x3  }
0x36: {  	p1 =	seq.s32 s10, $0x1;
	s10 =	sld [smem:$0x3FB4];
	_ =	sdelay $0x3  }
0x37: {  	[smem:$0x3FB4] =	sst s10  }
0x38: {  	s10 =	sld [smem:$0x3FB5]  }
0x39: {  	_ = 	snop;
	(pc) =	sbr.ind lr, $3  }
0x3a: {  	_ = 	snop  }
0x3b: {  	_ = 	snop  }
0x3c: {  	p2 =	seq.s32 s10, $0x1;
	s10 =	sld [smem:$0x3FB4]  }
0x3d: {  	_ =	shalt  }
0x3e: {  	_ =	shalt  }
0x3f: {  	_ =	shalt  }
0x40: {  	_ =	shalt  }
0x41: {  	_ =	shalt  }
0x42: {  	_ =	shalt  }
0x43: {  	_ =	shalt  }
0x44: {  	_ =	shalt  }
0x45: {  	_ =	shalt  }
0x46: {  	_ =	shalt  }
0x47: {  	_ =	shalt  }
0x48: {  	_ =	shalt  }
0x49: {  	_ =	shalt  }
0x4a: {  	_ =	shalt  }
0x4b: {  	_ =	shalt  }
0x4c: {  	_ =	shalt  }
0x4d: {  	_ =	shalt  }
0x4e: {  	_ =	shalt  }
0x4f: {  	_ =	shalt  }
0x50: {  	_ =	shalt  }
0x51: {  	_ =	shalt  }
0x52: {  	_ =	shalt  }
0x53: {  	_ =	shalt  }
0x54: {  	_ =	shalt  }
0x55: {  	_ =	shalt  }
0x56: {  	_ =	shalt  }
0x57: {  	_ =	shalt  }
0x58: {  	_ =	shalt  }
0x59: {  	_ =	shalt  }
0x5a: {  	_ =	shalt  }
0x5b: {  	_ =	shalt  }
0x5c: {  	_ =	shalt  }
0x5d: {  	_ =	shalt  }
0x5e: {  	_ =	shalt  }
0x5f: {  	_ =	shalt  }
0x60: {  	_ =	shalt  }
0x61: {  	_ =	shalt  }
0x62: {  	_ =	shalt  }
0x63: {  	_ =	shalt  }
0x64: {  	_ =	shalt  }
0x65: {  	_ =	shalt  }
0x66: {  	_ =	shalt  }
0x67: {  	_ =	shalt  }
0x68: {  	_ =	shalt  }
0x69: {  	_ =	shalt  }
0x6a: {  	_ =	shalt  }
0x6b: {  	_ =	shalt  }
0x6c: {  	_ =	shalt  }
0x6d: {  	_ =	shalt  }
0x6e: {  	_ =	shalt  }
0x6f: {  	_ =	shalt  }
0x70: {  	_ =	shalt  }
0x71: {  	_ =	shalt  }
0x72: {  	_ =	shalt  }
0x73: {  	_ =	shalt  }
0x74: {  	_ =	shalt  }
0x75: {  	_ =	shalt  }
0x76: {  	_ =	shalt  }
0x77: {  	_ =	shalt  }
0x78: {  	_ =	shalt  }
0x79: {  	_ =	shalt  }
0x7a: {  	_ =	shalt  }
0x7b: {  	_ =	shalt  }
0x7c: {  	_ =	shalt  }
0x7d: {  	_ =	shalt  }
0x7e: {  	_ =	shalt  }
0x7f: {  	_ =	shalt  }
0x80: {  	_ =	shalt  }
0x81: {  	_ =	shalt  }
0x82: {  	_ =	shalt  }
0x83: {  	_ =	shalt  }
0x84: {  	_ =	shalt  }
0x85: {  	_ =	shalt  }
0x86: {  	_ =	shalt  }
0x87: {  	_ =	shalt  }
.Lfunc_end0:
.L_simem_size_0:
called_computation.1_lowered:
.L_overlay_start_0:
0x88: {  	s2 =	sld [smem:$0x3FD9]  }
0x89: {  	s3 =	sld [smem:$0x3FFE];
	_ =	sdelay $0x1  }
0x8a: {  	s1 =	srdreg.scid  }
0x8b: {  	s0 =	sand.u32 $0x1, s1  }
0x8c: {  	s16 =	sshll.u32 s0, $0xA;
	s2 =	sadd.s32 s3, s2  }
0x8d: {  	s2 =	sadd.s32 s2, s16  }
0x8e: {  	[smem:$0x3FC0] =	sst s2  }
0x8f: {  	_ = 	snop  }
0x90: {  	(tm) =	ssettm $0x1  }
0x91: {  	s17 =	sld [smem:$0x3FFB];
	_ =	sdelay $0x3  }
0x92: {  	_ =	strace s17  }
0x93: {  	s2 =	sld [smem:$0x3FFC];
	_ =	sdelay $0x3  }
0x94: {  	_ =	strace s2  }
0x95: {  	s2 =	sld [smem:$0x3FFD];
	_ =	sdelay $0x3  }
0x96: {  	_ =	strace s2  }
0x97: {  	_ =	strace $0x8FFFFFFF  }
0x98: {  	s18 =	sld [smem:$0x3FDB];
	_ =	sdelay $0x1  }
0x99: {  	s19 =	simm.s32 $_scs_section_size  }
0x9a: {  	s4 =	simm.s32 $_size__tile_overlayer_lowered;
	s5 =	simm.s32 $_tile_overlayer_lowered  }
0x9b: {  	s22 =	simm.s32 $0x1BFF;
	s21 =	sshll.u32 s5, $0x1;
	s2 =	sadd.s32 s19, s18  }
0x9c: {  	s6 =	simm.s32 $0x0;
	s20 =	sshll.u32 s4, $0x1;
	s4 =	sadd.s32 s21, s2  }
0x9d: {  	[timem:s6], [sflag:s22] =	dma.local [hbm:s4], s20  }
0x9e: {  	_ =	swait.ge [sflag:s22], s20  }
0x9f: {  	s3 =	ssub.s32 $0x0, s20;
	[sflag:s22] =	ssyncset.done $0x0  }
0xa0: {  	[sflag:s22] =	ssyncadd.s32 s3;
	_ =	sdelay $0x1  }
0xa1: {  	s23 =	simm.s32 $0x1B8B  }
0xa2: {  	_ =	swait.ge [sflag:s23], $0x1  }
0xa3: {  	[sflag:s23] =	ssyncset.done $0x0  }
0xa4: {  	s25 =	simm.s32 $0x1B8E;
	s24 =	sld [smem:$0x3FFE];
	[sflag:s23] =	ssyncadd.s32 $0xFFFFFFFF  }
0xa5: {  	s26 =	simm.s32 $execute0_lowered;
	[smem:$0x3FD2] =	sst s25  }
0xa6: {  	s4 =	sshll.u32 s26, $0x1;
	_ =	strace $0x80000049;
	[dreg:$0x1] =	wrdreg $0xFFFFFFFF  }
0xa7: {  	s28 =	simm.s32 $_size_execute0_lowered;
	s2 =	sadd.s32 s2, s4;
	[dreg:$0x0] =	wrdreg $0x0  }
0xa8: {  	s4 =	sshll.u32 s28, $0x1;
	[dreg:$0x2] =	wrdreg s2  }
0xa9: {  	[dreg:$0x3] =	wrdreg s4  }
0xaa: {  	[dreg:$0x4] =	wrdreg $0xC0  }
0xab: {  	_ =	task [dreg:s6], $0x5FFFF  }
0xac: {  	[dreg:$0x1] =	wrdreg $0xFFFFFFFF  }
0xad: {  	[dreg:$0x0] =	wrdreg $0x60  }
0xae: {  	[dreg:$0x2] =	wrdreg s24  }
0xaf: {  	[dreg:$0x3] =	wrdreg $0xBF000  }
0xb0: {  	[dreg:$0x4] =	wrdreg $0x9  }
0xb1: {  	_ =	task.clear_ibuf [dreg:s6], $0x5FFFF;
	_ =	strace $0x90000049  }
0xb2: {  	s29 =	simm.s32 $0x9;
	_ =	strace $0x8000004B  }
0xb3: {  	_ =	swait.ge [sflag:s29], $0x1  }
0xb4: {  	[sflag:s29] =	ssyncadd.s32 $0xFFFFFFFF  }
0xb5: {  	_ =	strace $0x9000004B  }
0xb6: {  	_ =	sfence  }
0xb7: {  	s30 =	sld [smem:$0x0];
	_ =	sdelay $0x2  }
0xb8: {  	s31 =	sshll.u32 s1, $0xD;
	s1 =	sshrl.u32 s1, $0x2  }
0xb9: {  	s3 =	sand.u32 $0x4000, s31;
	s1 =	sadd.s32 s1, s30  }
0xba: {  	s0 =	sor.u32 s3, s0;
	s1 =	sshll.u32 s1, $0x11  }
0xbb: {  	s0 =	sor.u32 s1, s0  }
0xbc: {  	s0 =	sadd.s32 $0x8F2B, s0  }
0xbd: {  	[sflag:s0] =	ssyncadd.remote.s32 $0x1  }
0xbe: {  	_ =	sfence.sel $0xFFFF  }
0xbf: {  	[dreg:$0x0] =	wrdreg $0xFFFFFFFF;
	(pc) =	sbr.abs _section_cstart, $3  }
0xc0: {  	[dreg:$0x1] =	wrdreg $0xFFFFFFFF  }
0xc1: {  	_ =	task.clear_ibuf [dreg:s6], $0x2FFFF;
	_ =	strace $0x9FFFFFFF  }
0xc2: {  	(tm) =	ssettm $0x7FFFFFFF  }
0xc3: {  	_ =	shalt  }
tec
execute0_lowered:
.L_overlay_start_1:
0x0: {  	(tag) =	ssettag $0x1  }
0x1: {  	s0 =	srdreg.scid;
	s7 =	rddreg [dreg:$0x0]  }
0x2: {  	s2 =	rddreg [dreg:$0x1];
	s3 =	simm.s32 $0x0;
	s13 =	simm.s32 $0x2780  }
0x3: {  	s14 =	simm.s32 $0x70;
	s15 =	simm.s32 $0x4F00;
	s16 =	simm.s32 $0x1  }
0x4: {  	s17 =	simm.s32 $0x8700;
	s18 =	simm.s32 $0x2;
	s19 =	simm.s32 $0x3  }
0x5: {  	s20 =	simm.s32 $0x4;
	s21 =	simm.s32 $0x2680;
	s22 =	simm.s32 $0x4D90  }
0x6: {  	s23 =	simm.s32 $0x26F0;
	s6 =	sand.u32 $0x1, s0;
	s0 =	stileid.u32  }
0x7: {  	s24 =	simm.s32 $0x4E00;
	s25 =	simm.s32 $0x4E70;
	s8 =	smul.u32 $0x2800, s0  }
0x8: {  	s26 =	simm.s32 $0x0;
	[smem:$0x7FF] =	sst s3;
	s9 =	smul.u32 $0x28000, s6  }
0x9: {  	s1 =	sshll.u32 s6, $0x4;
	s11 =	smul.u32 $0x50000, s0;
	s6 =	ssub.s32 $0x2, s6  }
0xa: {  	s31 =	sshll.u32 s0, $0x6;
	s4 =	sor.u32 s0, s1;
	s1 =	rddreg [dreg:$0x2]  }
0xb: {  	_ =	strace $0x8000004A;
	s28 =	sshrl.u32 s6, $0x1;
	s5 =	smul.u32 $0x4EC, s4  }
0xc: {  	s4 =	sadd.s32 $0x69000, s7;
	s8 =	sadd.s32 s8, s9;
	s29 =	sshrl.u32 s11, $0x2  }
0xd: {  	s30 =	ssub.s32 s6, s28;
	s6 =	sor.u32 $0x1C05, s31;
	s9 =	sadd.s32 s8, s7  }
0xe: {  	s12 =	sadd.s32 s29, s2;
	s10 =	sadd.s32 s5, s7;
	s5 =	sadd.s32 $0xCA00, s7  }
0xf: {  	s9 =	sadd.s32 $0x91000, s9;
	s11 =	sshrl.u32 s12, $0x3;
	s12 =	simm.s32 $0x5  }
0x10: {  	s7 =	sadd.s32 $0x5F200, s10;
	s8 =	sadd.s32 $0x2C00, s10;
	s10 =	smax.u32 s30, $0x1  }
.LBB2_1:
0x11: {  	[spmem:s11], [sflag:s6] =	dma.local [hbm:s5], $0x2800  }
0x12: {  	_ =	swait.ge [sflag:s12], $0x2800  }
0x13: {  	[sflag:s12] =	ssyncset.done $0x0  }
0x14: {  	[sflag:s12] =	ssyncadd.s32 $0xFFFFD800  }
0x15: {  	[bflag:$0x0] =	sbarrier.arrive $0xFFFF  }
0x16: {  	[tilespmem:s3], [sflag:$0x5] =	stream.linear.gather [hbm4b:s7+s3], $0x2760, $0x38;
	[tilespmem:$0x1FF00] =	vst v63  }
0x17: {  	_ =	swait.ge [sflag:s12], $0x2760  }
0x18: {  	[sflag:s12] =	ssyncset.done $0x0  }
0x19: {  	[sflag:s12] =	ssyncadd.s32 $0xFFFFD8A0  }
0x1a: {  	[tilespmem:s13], [sflag:$0x5] =	stream.linear.gather [hbm4b:s8+s3], $0x2760, $0x38;
	[tilespmem:$0x1FF00] =	vst v63  }
0x1b: {  	_ =	swait.ge [sflag:s12], $0x2760  }
0x1c: {  	[sflag:s12] =	ssyncset.done $0x0  }
0x1d: {  	[sflag:s12] =	ssyncadd.s32 $0xFFFFD8A0  }
0x1e: {  	[tilespmem:s15], [sflag:$0x1] =	stream.indirect.gather [hbm4b:s4+s14], $0x80, s3, s14, $0xb8;
	[tilespmem:$0x1FF00] =	vst v63  }
0x1f: {  	_ =	swait.ge [sflag:s16], $0x3800  }
0x20: {  	[sflag:s16] =	ssyncset.done $0x0  }
0x21: {  	[sflag:s16] =	ssyncadd.s32 $0xFFFFC800  }
0x22: {  	[tilespmem:s17], [sflag:$0x2] =	stream.indirect.gather [hbm4b:s4+s14], $0x80, s14, s14, $0xb8;
	[tilespmem:$0x1FF00] =	vst v63  }
0x23: {  	_ = 	snop  }
0x24: {  	[spmem:s2] =	stream.indirect.scatter.add.f32 [tilespmem:s15], [sflag:$0x3], $0x80, s13, s14, $0xb8;
	[tilespmem:$0x1FF00] =	vst v63  }
0x25: {  	_ =	swait.ge [sflag:s18], $0x3800  }
0x26: {  	[sflag:s18] =	ssyncset.done $0x0  }
0x27: {  	[sflag:s18] =	ssyncadd.s32 $0xFFFFC800  }
0x28: {  	_ =	swait.ge [sflag:s19], $0x3800  }
0x29: {  	[sflag:s19] =	ssyncset.done $0x0  }
0x2a: {  	s28 =	simm.s32 $0xE0;
	[sflag:s19] =	ssyncadd.s32 $0xFFFFC800  }
0x2b: {  	[tilespmem:s15], [sflag:$0x1] =	stream.indirect.gather [hbm4b:s4+s14], $0x80, s28, s14, $0xb8;
	[tilespmem:$0x1FF00] =	vst v63  }
0x2c: {  	s28 =	simm.s32 $0x27F0  }
0x2d: {  	[spmem:s2] =	stream.indirect.scatter.add.f32 [tilespmem:s17], [sflag:$0x4], $0x80, s28, s14, $0xb8;
	[tilespmem:$0x1FF00] =	vst v63  }
0x2e: {  	_ =	swait.ge [sflag:s16], $0x3800  }
0x2f: {  	[sflag:s16] =	ssyncset.done $0x0  }
0x30: {  	[sflag:s16] =	ssyncadd.s32 $0xFFFFC800  }
0x31: {  	_ =	swait.ge [sflag:s20], $0x3800  }
0x32: {  	[sflag:s20] =	ssyncset.done $0x0  }
0x33: {  	s28 =	simm.s32 $0x150;
	[sflag:s20] =	ssyncadd.s32 $0xFFFFC800  }
0x34: {  	[tilespmem:s17], [sflag:$0x2] =	stream.indirect.gather [hbm4b:s4+s14], $0x80, s28, s14, $0xb8;
	[tilespmem:$0x1FF00] =	vst v63  }
0x35: {  	s29 =	simm.s32 $0x2860;
	s28 =	simm.s32 $0xFFFF6D00  }
.LBB2_2:
0x36: {  	[spmem:s2] =	stream.indirect.scatter.add.f32 [tilespmem:s15], [sflag:$0x3], $0x80, s29, s14, $0xb8;
	[tilespmem:$0x1FF00] =	vst v63  }
0x37: {  	s29 =	smov.u32 s28  }
0x38: {  	p0 =	sne.s32 s28, $0xFFFFFC80;
	s28 =	sadd.s32 $0x380, s28;
	_ =	swait.ge [sflag:s18], $0x3800  }
0x39: {  	[sflag:s18] =	ssyncset.done $0x0  }
0x3a: {  	[sflag:s18] =	ssyncadd.s32 $0xFFFFC800  }
0x3b: {  	_ =	swait.ge [sflag:s19], $0x3800  }
0x3c: {  	s29 =	sshra.s32 s29, $0x2;
	[sflag:s19] =	ssyncset.done $0x0  }
0x3d: {  	s30 =	sadd.s32 $0x2680, s29;
	[sflag:s19] =	ssyncadd.s32 $0xFFFFC800  }
0x3e: {  	[tilespmem:s15], [sflag:$0x1] =	stream.indirect.gather [hbm4b:s4+s14], $0x80, s30, s14, $0xb8;
	[tilespmem:$0x1FF00] =	vst v63  }
0x3f: {  	s30 =	sadd.s32 $0x4D90, s29  }
0x40: {  	[spmem:s2] =	stream.indirect.scatter.add.f32 [tilespmem:s17], [sflag:$0x4], $0x80, s30, s14, $0xb8;
	[tilespmem:$0x1FF00] =	vst v63  }
0x41: {  	_ =	swait.ge [sflag:s16], $0x3800  }
0x42: {  	[sflag:s16] =	ssyncset.done $0x0  }
0x43: {  	[sflag:s16] =	ssyncadd.s32 $0xFFFFC800  }
.Ltmp0:
0x44: {  	_ =	swait.ge [sflag:s20], $0x3800;
	(pc) =	sbr.rel @p0 .LBB2_2-.Ltmp0, $4  }
0x45: {  	[sflag:s20] =	ssyncset.done $0x0  }
0x46: {  	s30 =	sadd.s32 $0x26F0, s29;
	[sflag:s20] =	ssyncadd.s32 $0xFFFFC800  }
0x47: {  	[tilespmem:s17], [sflag:$0x2] =	stream.indirect.gather [hbm4b:s4+s14], $0x80, s30, s14, $0xb8;
	[tilespmem:$0x1FF00] =	vst v63  }
0x48: {  	s29 =	sadd.s32 $0x4E00, s29  }
0x49: {  	[spmem:s2] =	stream.indirect.scatter.add.f32 [tilespmem:s15], [sflag:$0x3], $0x80, s29, s14, $0xb8;
	[tilespmem:$0x1FF00] =	vst v63  }
0x4a: {  	_ =	swait.ge [sflag:s18], $0x3800  }
0x4b: {  	[sflag:s18] =	ssyncset.done $0x0  }
0x4c: {  	[sflag:s18] =	ssyncadd.s32 $0xFFFFC800  }
0x4d: {  	_ =	swait.ge [sflag:s19], $0x3800  }
0x4e: {  	[sflag:s19] =	ssyncset.done $0x0  }
0x4f: {  	[sflag:s19] =	ssyncadd.s32 $0xFFFFC800  }
0x50: {  	[tilespmem:s15], [sflag:$0x1] =	stream.indirect.gather [hbm4b:s4+s14], $0x80, s21, s14, $0xb8;
	[tilespmem:$0x1FF00] =	vst v63  }
0x51: {  	_ = 	snop  }
0x52: {  	[spmem:s2] =	stream.indirect.scatter.add.f32 [tilespmem:s17], [sflag:$0x4], $0x80, s22, s14, $0xb8;
	[tilespmem:$0x1FF00] =	vst v63  }
0x53: {  	_ =	swait.ge [sflag:s16], $0x3800  }
0x54: {  	[sflag:s16] =	ssyncset.done $0x0  }
0x55: {  	[sflag:s16] =	ssyncadd.s32 $0xFFFFC800  }
0x56: {  	_ =	swait.ge [sflag:s20], $0x3800  }
0x57: {  	[sflag:s20] =	ssyncset.done $0x0  }
0x58: {  	[sflag:s20] =	ssyncadd.s32 $0xFFFFC800  }
0x59: {  	[tilespmem:s17], [sflag:$0x2] =	stream.indirect.gather [hbm4b:s4+s14], $0x80, s23, s14, $0xb8;
	[tilespmem:$0x1FF00] =	vst v63  }
0x5a: {  	_ = 	snop  }
0x5b: {  	[spmem:s2] =	stream.indirect.scatter.add.f32 [tilespmem:s15], [sflag:$0x3], $0x80, s24, s14, $0xb8;
	[tilespmem:$0x1FF00] =	vst v63  }
0x5c: {  	_ =	swait.ge [sflag:s18], $0x3800  }
0x5d: {  	[sflag:s18] =	ssyncset.done $0x0  }
0x5e: {  	[sflag:s18] =	ssyncadd.s32 $0xFFFFC800  }
0x5f: {  	_ =	swait.ge [sflag:s19], $0x3800  }
0x60: {  	[sflag:s19] =	ssyncset.done $0x0  }
0x61: {  	[sflag:s19] =	ssyncadd.s32 $0xFFFFC800  }
0x62: {  	[spmem:s2] =	stream.indirect.scatter.add.f32 [tilespmem:s17], [sflag:$0x4], $0x80, s25, s14, $0xb8;
	[tilespmem:$0x1FF00] =	vst v63  }
0x63: {  	_ =	swait.ge [sflag:s20], $0x3800  }
0x64: {  	s26 =	sadd.s32 $0x1, s26;
	[sflag:s20] =	ssyncset.done $0x0  }
0x65: {  	p0 =	sne.s32 s26, s10;
	[sflag:s20] =	ssyncadd.s32 $0xFFFFC800  }
.Ltmp1:
0x66: {  	[bflag:$0x0] =	sbarrier.arrive $0xFFFF;
	(pc) =	sbr.rel @p0 .LBB2_1-.Ltmp1, $4  }
0x67: {  	[hbm:s9], [sflag:s6] =	dma.local [spmem:s11], $0x2800  }
0x68: {  	_ =	swait.ge [sflag:s12], $0x2800  }
0x69: {  	[sflag:s12] =	ssyncset.done $0x0  }
0x6a: {  	[sflag:s12] =	ssyncadd.s32 $0xFFFFD800  }
0x6b: {  	_ =	sfence.sel $0x180000  }
0x6c: {  	[bflag:$0x0] =	sbarrier.arrive $0xFFFF  }
0x6d: {  	p0 =	sne.s32 s0, $0x0;
	_ =	strace $0x9000004A  }
0x6e: {  	s0 =	sadd.s32 @!p0 $0x100000, s1;
	[bflag:$0x2] =	sbarrier.arrive $0xFFFF  }
0x6f: {  	[sflag:s0] =	ssyncadd.tile.s32 @!p0 $0x1;
	_ =	shalt  }
.Lfunc_end2:
_tile_overlayer_lowered:
.L_overlay_start_2:
0x70: {  	(tag) =	ssettag $0x2  }
0x71: {  	s0 =	rddreg [dreg:$0x0];
	s2 =	stileid.u32  }
0x72: {  	s1 =	rddreg [dreg:$0x1];
	p0 =	sne.s32 s2, $0x0  }
0x73: {  	s3 =	rddreg [dreg:$0x2];
	[bflag:$0x3] =	sbarrier.arrive $0xFFFF;
	s2 =	simm.s32 @!p0 $0x1C05  }
0x74: {  	[timem:s3], [sflag:s2] =	dma.local @!p0 [hbm:s0], s1  }
0x75: {  	s0 =	simm.s32 @!p0 $0x5  }
0x76: {  	_ =	swait.ge @!p0 [sflag:s0], s1  }
0x77: {  	s1 =	ssub.s32 @!p0 $0x0, s1;
	[sflag:s0] =	ssyncset.done @!p0 $0x0  }
0x78: {  	[sflag:s0] =	ssyncadd.s32 @!p0 s1  }
0x79: {  	[bflag:$0x3] =	sbarrier.arrive $0xFFFF  }
0x7a: {  	_ =	shalt  }

// kernel: kernel.14.cloned.1.call-start
scs
__scs_entry_jumppad:
0x0: {  	(pc) =	sbr.rel $0x88, $3  }
0x1: {  	(tag) =	ssettag $0x0;
	lr =	simm.s32 $0x1  }
0x2: {  	[smem:$0x3F99] =	sst lr;
	_ =	strace $0xD0000000  }
0x3: {  	_ = 	snop  }
0x4: {  	_ = 	snop  }
0x5: {  	_ = 	snop  }
0x6: {  	_ = 	snop  }
0x7: {  	_ = 	snop  }
__scs_overlays_trampoline_lowered:
0x8: {  	[smem:$0x3FA8] =	sst s0  }
0x9: {  	[smem:$0x3FA9] =	sst s1  }
0xa: {  	[smem:$0x3FAA] =	sst s2  }
0xb: {  	[smem:$0x3FAB] =	sst s3  }
0xc: {  	[smem:$0x3FAC] =	sst s4  }
0xd: {  	[smem:$0x3FAD] =	sst s5  }
0xe: {  	[smem:$0x3FAE] =	sst s6  }
0xf: {  	[smem:$0x3FAF] =	sst s7  }
0x10: {  	[smem:$0x3FB0] =	sst s8  }
0x11: {  	[smem:$0x3FB1] =	sst s9;
	s0 =	simm.s32 @!p0 $0x0  }
0x12: {  	s1 =	sld [smem:$0x3F97];
	s0 =	simm.s32 @p0 $0x1  }
0x13: {  	[smem:$0x3FB2] =	sst s0;
	s0 =	simm.s32 @!p1 $0x0  }
0x14: {  	s2 =	sld [smem:$0x3F96];
	s0 =	simm.s32 @p1 $0x1  }
0x15: {  	[smem:$0x3FB3] =	sst s0;
	s0 =	simm.s32 @!p2 $0x0  }
0x16: {  	s3 =	sld [smem:$0x3FDB];
	s0 =	simm.s32 @p2 $0x1  }
0x17: {  	s4 =	simm.s32 $0x1BF5;
	[smem:$0x3FB5] =	sst s0  }
0x18: {  	s0 =	sld [smem:$0x3F98];
	_ =	swait.ge [sflag:s4], $0x0  }
0x19: {  	s7 =	sld [smem:$0x3F99]  }
0x1a: {  	s8 =	sadd.s32 $0xFFFFE003, lr  }
0x1b: {  	s9 =	sadd.s32 $0xFFFFFEF7, lr;
	s5 =	simm.s32 $0xFFFFFFFF;
	p2 =	slt.u32 s8, $0xFFFFF086  }
0x1c: {  	p1 =	slt.u32 s9, $0xF7A;
	s5 =	simm.s32 @!p2 $0x0  }
0x1d: {  	s5 =	simm.s32 @p1 $0x1;
	p0 =	seq.s32 s7, s2  }
0x1e: {  	s7 =	smul.u32 @!p0 $0xF7A, s2;
	p2 =	seq.s32 @!p0 s5, $0x0  }
0x1f: {  	s9 =	smul.u32 $0xF7A, s1;
	s8 =	simm.s32 @!p0 $0x1BF5;
	p2 =	por !p2, p0  }
0x20: {  	[sflag:s8] =	ssyncset.s32 @!p0 $0xFFFFF086;
	s6 =	sadd.s32 @!p0 s3, s7;
	s7 =	simm.s32 @!p0 $0x108  }
0x21: {  	s3 =	sadd.s32 s3, s9;
	s6 =	sadd.s32 @!p0 $0x88, s6;
	s7 =	simm.s32 @p2 $0x1082  }
0x22: {  	[simem:s7], [sflag:s8] =	dma.local @!p0 [hbm:s6], $0xF7A  }
0x23: {  	s9 =	sor.u32 $0xD0000000, s2;
	s6 =	simm.s32 $0x108;
	_ =	swait.ge @!p0 [sflag:s8], $0x0  }
0x24: {  	s3 =	sadd.s32 $0x88, s3;
	s6 =	simm.s32 @!p1 $0x1082;
	[sflag:s4] =	ssyncset.s32 $0xFFFFF086  }
0x25: {  	[simem:s6], [sflag:s4] =	dma.local [hbm:s3], $0xF7A  }
0x26: {  	[smem:$0x3F99] =	sst s1;
	(tag) =	ssettag s2;
	_ =	strace s9  }
0x27: {  	s1 =	sld [smem:$0x3FA9]  }
0x28: {  	s2 =	sld [smem:$0x3FAA]  }
0x29: {  	s4 =	sld [smem:$0x3FAC]  }
0x2a: {  	p0 =	seq.s32 s5, $0x0;
	s5 =	sld [smem:$0x3FAD]  }
0x2b: {  	s6 =	sld [smem:$0x3FAE]  }
0x2c: {  	s7 =	sld [smem:$0x3FAF]  }
0x2d: {  	s3 =	simm.s32 $0x108;
	s8 =	sld [smem:$0x3FB0]  }
0x2e: {  	s3 =	simm.s32 @!p0 $0x1082;
	s9 =	sld [smem:$0x3FB1]  }
0x2f: {  	lr =	sadd.s32 s0, s3;
	s0 =	sld [smem:$0x3FA8]  }
0x30: {  	s3 =	sld [smem:$0x3FAB]  }
0x31: {  	[smem:$0x3FB4] =	sst s10  }
0x32: {  	s10 =	sld [smem:$0x3FB2];
	_ =	sdelay $0x3  }
0x33: {  	p0 =	seq.s32 s10, $0x1;
	s10 =	sld [smem:$0x3FB4];
	_ =	sdelay $0x3  }
0x34: {  	[smem:$0x3FB4] =	sst s10  }
0x35: {  	s10 =	sld [smem:$0x3FB3];
	_ =	sdelay $0x3  }
0x36: {  	p1 =	seq.s32 s10, $0x1;
	s10 =	sld [smem:$0x3FB4];
	_ =	sdelay $0x3  }
0x37: {  	[smem:$0x3FB4] =	sst s10  }
0x38: {  	s10 =	sld [smem:$0x3FB5]  }
0x39: {  	_ = 	snop;
	(pc) =	sbr.ind lr, $3  }
0x3a: {  	_ = 	snop  }
0x3b: {  	_ = 	snop  }
0x3c: {  	p2 =	seq.s32 s10, $0x1;
	s10 =	sld [smem:$0x3FB4]  }
0x3d: {  	_ =	shalt  }
0x3e: {  	_ =	shalt  }
0x3f: {  	_ =	shalt  }
0x40: {  	_ =	shalt  }
0x41: {  	_ =	shalt  }
0x42: {  	_ =	shalt  }
0x43: {  	_ =	shalt  }
0x44: {  	_ =	shalt  }
0x45: {  	_ =	shalt  }
0x46: {  	_ =	shalt  }
0x47: {  	_ =	shalt  }
0x48: {  	_ =	shalt  }
0x49: {  	_ =	shalt  }
0x4a: {  	_ =	shalt  }
0x4b: {  	_ =	shalt  }
0x4c: {  	_ =	shalt  }
0x4d: {  	_ =	shalt  }
0x4e: {  	_ =	shalt  }
0x4f: {  	_ =	shalt  }
0x50: {  	_ =	shalt  }
0x51: {  	_ =	shalt  }
0x52: {  	_ =	shalt  }
0x53: {  	_ =	shalt  }
0x54: {  	_ =	shalt  }
0x55: {  	_ =	shalt  }
0x56: {  	_ =	shalt  }
0x57: {  	_ =	shalt  }
0x58: {  	_ =	shalt  }
0x59: {  	_ =	shalt  }
0x5a: {  	_ =	shalt  }
0x5b: {  	_ =	shalt  }
0x5c: {  	_ =	shalt  }
0x5d: {  	_ =	shalt  }
0x5e: {  	_ =	shalt  }
0x5f: {  	_ =	shalt  }
0x60: {  	_ =	shalt  }
0x61: {  	_ =	shalt  }
0x62: {  	_ =	shalt  }
0x63: {  	_ =	shalt  }
0x64: {  	_ =	shalt  }
0x65: {  	_ =	shalt  }
0x66: {  	_ =	shalt  }
0x67: {  	_ =	shalt  }
0x68: {  	_ =	shalt  }
0x69: {  	_ =	shalt  }
0x6a: {  	_ =	shalt  }
0x6b: {  	_ =	shalt  }
0x6c: {  	_ =	shalt  }
0x6d: {  	_ =	shalt  }
0x6e: {  	_ =	shalt  }
0x6f: {  	_ =	shalt  }
0x70: {  	_ =	shalt  }
0x71: {  	_ =	shalt  }
0x72: {  	_ =	shalt  }
0x73: {  	_ =	shalt  }
0x74: {  	_ =	shalt  }
0x75: {  	_ =	shalt  }
0x76: {  	_ =	shalt  }
0x77: {  	_ =	shalt  }
0x78: {  	_ =	shalt  }
0x79: {  	_ =	shalt  }
0x7a: {  	_ =	shalt  }
0x7b: {  	_ =	shalt  }
0x7c: {  	_ =	shalt  }
0x7d: {  	_ =	shalt  }
0x7e: {  	_ =	shalt  }
0x7f: {  	_ =	shalt  }
0x80: {  	_ =	shalt  }
0x81: {  	_ =	shalt  }
0x82: {  	_ =	shalt  }
0x83: {  	_ =	shalt  }
0x84: {  	_ =	shalt  }
0x85: {  	_ =	shalt  }
0x86: {  	_ =	shalt  }
0x87: {  	_ =	shalt  }
.Lfunc_end0:
.L_simem_size_0:
called_computation.2_lowered:
.L_overlay_start_0:
0x88: {  	s2 =	sld [smem:$0x3FD9]  }
0x89: {  	s3 =	sld [smem:$0x3FFE];
	_ =	sdelay $0x1  }
0x8a: {  	s1 =	srdreg.scid  }
0x8b: {  	s0 =	sand.u32 $0x1, s1  }
0x8c: {  	s16 =	sshll.u32 s0, $0xA;
	s2 =	sadd.s32 s3, s2  }
0x8d: {  	s2 =	sadd.s32 s2, s16  }
0x8e: {  	[smem:$0x3FC0] =	sst s2  }
0x8f: {  	_ = 	snop  }
0x90: {  	(tm) =	ssettm $0x1  }
0x91: {  	s17 =	sld [smem:$0x3FFB];
	_ =	sdelay $0x3  }
0x92: {  	_ =	strace s17  }
0x93: {  	s2 =	sld [smem:$0x3FFC];
	_ =	sdelay $0x3  }
0x94: {  	_ =	strace s2  }
0x95: {  	s2 =	sld [smem:$0x3FFD];
	_ =	sdelay $0x3  }
0x96: {  	_ =	strace s2  }
0x97: {  	_ =	strace $0x8FFFFFFF  }
0x98: {  	s18 =	sld [smem:$0x3FDB];
	_ =	sdelay $0x1  }
0x99: {  	s19 =	simm.s32 $_scs_section_size  }
0x9a: {  	s4 =	simm.s32 $_size__tile_overlayer_lowered;
	s5 =	simm.s32 $_tile_overlayer_lowered  }
0x9b: {  	s22 =	simm.s32 $0x1BFF;
	s21 =	sshll.u32 s5, $0x1;
	s2 =	sadd.s32 s19, s18  }
0x9c: {  	s6 =	simm.s32 $0x0;
	s20 =	sshll.u32 s4, $0x1;
	s4 =	sadd.s32 s21, s2  }
0x9d: {  	[timem:s6], [sflag:s22] =	dma.local [hbm:s4], s20  }
0x9e: {  	_ =	swait.ge [sflag:s22], s20  }
0x9f: {  	s3 =	ssub.s32 $0x0, s20;
	[sflag:s22] =	ssyncset.done $0x0  }
0xa0: {  	[sflag:s22] =	ssyncadd.s32 s3;
	_ =	sdelay $0x1  }
0xa1: {  	s23 =	simm.s32 $0x1B8B  }
0xa2: {  	_ =	swait.ge [sflag:s23], $0x1  }
0xa3: {  	[sflag:s23] =	ssyncset.done $0x0  }
0xa4: {  	s25 =	simm.s32 $0x1B8E;
	s24 =	sld [smem:$0x3FFE];
	[sflag:s23] =	ssyncadd.s32 $0xFFFFFFFF  }
0xa5: {  	s26 =	simm.s32 $execute0_lowered;
	[smem:$0x3FD2] =	sst s25  }
0xa6: {  	s4 =	sshll.u32 s26, $0x1;
	_ =	strace $0x8000004C;
	[dreg:$0x1] =	wrdreg $0xFFFFFFFF  }
0xa7: {  	s28 =	simm.s32 $_size_execute0_lowered;
	s2 =	sadd.s32 s2, s4;
	[dreg:$0x0] =	wrdreg $0x0  }
0xa8: {  	s4 =	sshll.u32 s28, $0x1;
	[dreg:$0x2] =	wrdreg s2  }
0xa9: {  	[dreg:$0x3] =	wrdreg s4  }
0xaa: {  	[dreg:$0x4] =	wrdreg $0xC0  }
0xab: {  	_ =	task [dreg:s6], $0x5FFFF  }
0xac: {  	[dreg:$0x1] =	wrdreg $0xFFFFFFFF  }
0xad: {  	[dreg:$0x0] =	wrdreg $0x60  }
0xae: {  	[dreg:$0x2] =	wrdreg s24  }
0xaf: {  	[dreg:$0x3] =	wrdreg $0xBF000  }
0xb0: {  	[dreg:$0x4] =	wrdreg $0x9  }
0xb1: {  	_ =	task.clear_ibuf [dreg:s6], $0x5FFFF;
	_ =	strace $0x9000004C  }
0xb2: {  	s29 =	simm.s32 $0x9;
	_ =	strace $0x8000004E  }
0xb3: {  	_ =	swait.ge [sflag:s29], $0x1  }
0xb4: {  	[sflag:s29] =	ssyncadd.s32 $0xFFFFFFFF  }
0xb5: {  	_ =	strace $0x9000004E  }
0xb6: {  	_ =	sfence  }
0xb7: {  	s30 =	sld [smem:$0x0];
	_ =	sdelay $0x2  }
0xb8: {  	s31 =	sshll.u32 s1, $0xD;
	s1 =	sshrl.u32 s1, $0x2  }
0xb9: {  	s3 =	sand.u32 $0x4000, s31;
	s1 =	sadd.s32 s1, s30  }
0xba: {  	s0 =	sor.u32 s3, s0;
	s1 =	sshll.u32 s1, $0x11  }
0xbb: {  	s0 =	sor.u32 s1, s0  }
0xbc: {  	s0 =	sadd.s32 $0x8F2B, s0  }
0xbd: {  	[sflag:s0] =	ssyncadd.remote.s32 $0x1  }
0xbe: {  	_ =	sfence.sel $0xFFFF  }
0xbf: {  	[dreg:$0x0] =	wrdreg $0xFFFFFFFF;
	(pc) =	sbr.abs _section_cstart, $3  }
0xc0: {  	[dreg:$0x1] =	wrdreg $0xFFFFFFFF  }
0xc1: {  	_ =	task.clear_ibuf [dreg:s6], $0x2FFFF;
	_ =	strace $0x9FFFFFFF  }
0xc2: {  	(tm) =	ssettm $0x7FFFFFFF  }
0xc3: {  	_ =	shalt  }
tec
execute0_lowered:
.L_overlay_start_1:
0x0: {  	(tag) =	ssettag $0x1  }
0x1: {  	s0 =	srdreg.scid;
	s7 =	rddreg [dreg:$0x0]  }
0x2: {  	s2 =	rddreg [dreg:$0x1];
	s3 =	simm.s32 $0x0;
	s13 =	simm.s32 $0x2780  }
0x3: {  	s14 =	simm.s32 $0x70;
	s15 =	simm.s32 $0x4F00;
	s16 =	simm.s32 $0x1  }
0x4: {  	s17 =	simm.s32 $0x8700;
	s18 =	simm.s32 $0x2;
	s19 =	simm.s32 $0x3  }
0x5: {  	s20 =	simm.s32 $0x4;
	s21 =	simm.s32 $0x2680;
	s22 =	simm.s32 $0x4D90  }
0x6: {  	s23 =	simm.s32 $0x26F0;
	s6 =	sand.u32 $0x1, s0;
	s0 =	stileid.u32  }
0x7: {  	s24 =	simm.s32 $0x4E00;
	s25 =	simm.s32 $0x4E70;
	s8 =	smul.u32 $0x2800, s0  }
0x8: {  	s26 =	simm.s32 $0x0;
	[smem:$0x7FF] =	sst s3;
	s9 =	smul.u32 $0x28000, s6  }
0x9: {  	s1 =	sshll.u32 s6, $0x4;
	s11 =	smul.u32 $0x50000, s0;
	s6 =	ssub.s32 $0x2, s6  }
0xa: {  	s31 =	sshll.u32 s0, $0x6;
	s4 =	sor.u32 s0, s1;
	s1 =	rddreg [dreg:$0x2]  }
0xb: {  	_ =	strace $0x8000004D;
	s28 =	sshrl.u32 s6, $0x1;
	s5 =	smul.u32 $0x4EC, s4  }
0xc: {  	s4 =	sadd.s32 $0x69000, s7;
	s8 =	sadd.s32 s8, s9;
	s29 =	sshrl.u32 s11, $0x2  }
0xd: {  	s30 =	ssub.s32 s6, s28;
	s6 =	sor.u32 $0x1C05, s31;
	s9 =	sadd.s32 s8, s7  }
0xe: {  	s12 =	sadd.s32 s29, s2;
	s10 =	sadd.s32 s5, s7;
	s5 =	sadd.s32 $0xCA00, s7  }
0xf: {  	s9 =	sadd.s32 $0x91000, s9;
	s11 =	sshrl.u32 s12, $0x3;
	s12 =	simm.s32 $0x5  }
0x10: {  	s7 =	sadd.s32 $0x5F200, s10;
	s8 =	sadd.s32 $0x2C00, s10;
	s10 =	smax.u32 s30, $0x1  }
.LBB2_1:
0x11: {  	[spmem:s11], [sflag:s6] =	dma.local [hbm:s5], $0x2800  }
0x12: {  	_ =	swait.ge [sflag:s12], $0x2800  }
0x13: {  	[sflag:s12] =	ssyncset.done $0x0  }
0x14: {  	[sflag:s12] =	ssyncadd.s32 $0xFFFFD800  }
0x15: {  	[bflag:$0x0] =	sbarrier.arrive $0xFFFF  }
0x16: {  	[tilespmem:s3], [sflag:$0x5] =	stream.linear.gather [hbm4b:s7+s3], $0x2760, $0x38;
	[tilespmem:$0x1FF00] =	vst v63  }
0x17: {  	_ =	swait.ge [sflag:s12], $0x2760  }
0x18: {  	[sflag:s12] =	ssyncset.done $0x0  }
0x19: {  	[sflag:s12] =	ssyncadd.s32 $0xFFFFD8A0  }
0x1a: {  	[tilespmem:s13], [sflag:$0x5] =	stream.linear.gather [hbm4b:s8+s3], $0x2760, $0x38;
	[tilespmem:$0x1FF00] =	vst v63  }
0x1b: {  	_ =	swait.ge [sflag:s12], $0x2760  }
0x1c: {  	[sflag:s12] =	ssyncset.done $0x0  }
0x1d: {  	[sflag:s12] =	ssyncadd.s32 $0xFFFFD8A0  }
0x1e: {  	[tilespmem:s15], [sflag:$0x1] =	stream.indirect.gather [hbm4b:s4+s14], $0x80, s3, s14, $0xb8;
	[tilespmem:$0x1FF00] =	vst v63  }
0x1f: {  	_ =	swait.ge [sflag:s16], $0x3800  }
0x20: {  	[sflag:s16] =	ssyncset.done $0x0  }
0x21: {  	[sflag:s16] =	ssyncadd.s32 $0xFFFFC800  }
0x22: {  	[tilespmem:s17], [sflag:$0x2] =	stream.indirect.gather [hbm4b:s4+s14], $0x80, s14, s14, $0xb8;
	[tilespmem:$0x1FF00] =	vst v63  }
0x23: {  	_ = 	snop  }
0x24: {  	[spmem:s2] =	stream.indirect.scatter.add.f32 [tilespmem:s15], [sflag:$0x3], $0x80, s13, s14, $0xb8;
	[tilespmem:$0x1FF00] =	vst v63  }
0x25: {  	_ =	swait.ge [sflag:s18], $0x3800  }
0x26: {  	[sflag:s18] =	ssyncset.done $0x0  }
0x27: {  	[sflag:s18] =	ssyncadd.s32 $0xFFFFC800  }
0x28: {  	_ =	swait.ge [sflag:s19], $0x3800  }
0x29: {  	[sflag:s19] =	ssyncset.done $0x0  }
0x2a: {  	s28 =	simm.s32 $0xE0;
	[sflag:s19] =	ssyncadd.s32 $0xFFFFC800  }
0x2b: {  	[tilespmem:s15], [sflag:$0x1] =	stream.indirect.gather [hbm4b:s4+s14], $0x80, s28, s14, $0xb8;
	[tilespmem:$0x1FF00] =	vst v63  }
0x2c: {  	s28 =	simm.s32 $0x27F0  }
0x2d: {  	[spmem:s2] =	stream.indirect.scatter.add.f32 [tilespmem:s17], [sflag:$0x4], $0x80, s28, s14, $0xb8;
	[tilespmem:$0x1FF00] =	vst v63  }
0x2e: {  	_ =	swait.ge [sflag:s16], $0x3800  }
0x2f: {  	[sflag:s16] =	ssyncset.done $0x0  }
0x30: {  	[sflag:s16] =	ssyncadd.s32 $0xFFFFC800  }
0x31: {  	_ =	swait.ge [sflag:s20], $0x3800  }
0x32: {  	[sflag:s20] =	ssyncset.done $0x0  }
0x33: {  	s28 =	simm.s32 $0x150;
	[sflag:s20] =	ssyncadd.s32 $0xFFFFC800  }
0x34: {  	[tilespmem:s17], [sflag:$0x2] =	stream.indirect.gather [hbm4b:s4+s14], $0x80, s28, s14, $0xb8;
	[tilespmem:$0x1FF00] =	vst v63  }
0x35: {  	s29 =	simm.s32 $0x2860;
	s28 =	simm.s32 $0xFFFF6D00  }
.LBB2_2:
0x36: {  	[spmem:s2] =	stream.indirect.scatter.add.f32 [tilespmem:s15], [sflag:$0x3], $0x80, s29, s14, $0xb8;
	[tilespmem:$0x1FF00] =	vst v63  }
0x37: {  	s29 =	smov.u32 s28  }
0x38: {  	p0 =	sne.s32 s28, $0xFFFFFC80;
	s28 =	sadd.s32 $0x380, s28;
	_ =	swait.ge [sflag:s18], $0x3800  }
0x39: {  	[sflag:s18] =	ssyncset.done $0x0  }
0x3a: {  	[sflag:s18] =	ssyncadd.s32 $0xFFFFC800  }
0x3b: {  	_ =	swait.ge [sflag:s19], $0x3800  }
0x3c: {  	s29 =	sshra.s32 s29, $0x2;
	[sflag:s19] =	ssyncset.done $0x0  }
0x3d: {  	s30 =	sadd.s32 $0x2680, s29;
	[sflag:s19] =	ssyncadd.s32 $0xFFFFC800  }
0x3e: {  	[tilespmem:s15], [sflag:$0x1] =	stream.indirect.gather [hbm4b:s4+s14], $0x80, s30, s14, $0xb8;
	[tilespmem:$0x1FF00] =	vst v63  }
0x3f: {  	s30 =	sadd.s32 $0x4D90, s29  }
0x40: {  	[spmem:s2] =	stream.indirect.scatter.add.f32 [tilespmem:s17], [sflag:$0x4], $0x80, s30, s14, $0xb8;
	[tilespmem:$0x1FF00] =	vst v63  }
0x41: {  	_ =	swait.ge [sflag:s16], $0x3800  }
0x42: {  	[sflag:s16] =	ssyncset.done $0x0  }
0x43: {  	[sflag:s16] =	ssyncadd.s32 $0xFFFFC800  }
.Ltmp0:
0x44: {  	_ =	swait.ge [sflag:s20], $0x3800;
	(pc) =	sbr.rel @p0 .LBB2_2-.Ltmp0, $4  }
0x45: {  	[sflag:s20] =	ssyncset.done $0x0  }
0x46: {  	s30 =	sadd.s32 $0x26F0, s29;
	[sflag:s20] =	ssyncadd.s32 $0xFFFFC800  }
0x47: {  	[tilespmem:s17], [sflag:$0x2] =	stream.indirect.gather [hbm4b:s4+s14], $0x80, s30, s14, $0xb8;
	[tilespmem:$0x1FF00] =	vst v63  }
0x48: {  	s29 =	sadd.s32 $0x4E00, s29  }
0x49: {  	[spmem:s2] =	stream.indirect.scatter.add.f32 [tilespmem:s15], [sflag:$0x3], $0x80, s29, s14, $0xb8;
	[tilespmem:$0x1FF00] =	vst v63  }
0x4a: {  	_ =	swait.ge [sflag:s18], $0x3800  }
0x4b: {  	[sflag:s18] =	ssyncset.done $0x0  }
0x4c: {  	[sflag:s18] =	ssyncadd.s32 $0xFFFFC800  }
0x4d: {  	_ =	swait.ge [sflag:s19], $0x3800  }
0x4e: {  	[sflag:s19] =	ssyncset.done $0x0  }
0x4f: {  	[sflag:s19] =	ssyncadd.s32 $0xFFFFC800  }
0x50: {  	[tilespmem:s15], [sflag:$0x1] =	stream.indirect.gather [hbm4b:s4+s14], $0x80, s21, s14, $0xb8;
	[tilespmem:$0x1FF00] =	vst v63  }
0x51: {  	_ = 	snop  }
0x52: {  	[spmem:s2] =	stream.indirect.scatter.add.f32 [tilespmem:s17], [sflag:$0x4], $0x80, s22, s14, $0xb8;
	[tilespmem:$0x1FF00] =	vst v63  }
0x53: {  	_ =	swait.ge [sflag:s16], $0x3800  }
0x54: {  	[sflag:s16] =	ssyncset.done $0x0  }
0x55: {  	[sflag:s16] =	ssyncadd.s32 $0xFFFFC800  }
0x56: {  	_ =	swait.ge [sflag:s20], $0x3800  }
0x57: {  	[sflag:s20] =	ssyncset.done $0x0  }
0x58: {  	[sflag:s20] =	ssyncadd.s32 $0xFFFFC800  }
0x59: {  	[tilespmem:s17], [sflag:$0x2] =	stream.indirect.gather [hbm4b:s4+s14], $0x80, s23, s14, $0xb8;
	[tilespmem:$0x1FF00] =	vst v63  }
0x5a: {  	_ = 	snop  }
0x5b: {  	[spmem:s2] =	stream.indirect.scatter.add.f32 [tilespmem:s15], [sflag:$0x3], $0x80, s24, s14, $0xb8;
	[tilespmem:$0x1FF00] =	vst v63  }
0x5c: {  	_ =	swait.ge [sflag:s18], $0x3800  }
0x5d: {  	[sflag:s18] =	ssyncset.done $0x0  }
0x5e: {  	[sflag:s18] =	ssyncadd.s32 $0xFFFFC800  }
0x5f: {  	_ =	swait.ge [sflag:s19], $0x3800  }
0x60: {  	[sflag:s19] =	ssyncset.done $0x0  }
0x61: {  	[sflag:s19] =	ssyncadd.s32 $0xFFFFC800  }
0x62: {  	[spmem:s2] =	stream.indirect.scatter.add.f32 [tilespmem:s17], [sflag:$0x4], $0x80, s25, s14, $0xb8;
	[tilespmem:$0x1FF00] =	vst v63  }
0x63: {  	_ =	swait.ge [sflag:s20], $0x3800  }
0x64: {  	s26 =	sadd.s32 $0x1, s26;
	[sflag:s20] =	ssyncset.done $0x0  }
0x65: {  	p0 =	sne.s32 s26, s10;
	[sflag:s20] =	ssyncadd.s32 $0xFFFFC800  }
.Ltmp1:
0x66: {  	[bflag:$0x0] =	sbarrier.arrive $0xFFFF;
	(pc) =	sbr.rel @p0 .LBB2_1-.Ltmp1, $4  }
0x67: {  	[hbm:s9], [sflag:s6] =	dma.local [spmem:s11], $0x2800  }
0x68: {  	_ =	swait.ge [sflag:s12], $0x2800  }
0x69: {  	[sflag:s12] =	ssyncset.done $0x0  }
0x6a: {  	[sflag:s12] =	ssyncadd.s32 $0xFFFFD800  }
0x6b: {  	_ =	sfence.sel $0x180000  }
0x6c: {  	[bflag:$0x0] =	sbarrier.arrive $0xFFFF  }
0x6d: {  	p0 =	sne.s32 s0, $0x0;
	_ =	strace $0x9000004D  }
0x6e: {  	s0 =	sadd.s32 @!p0 $0x100000, s1;
	[bflag:$0x2] =	sbarrier.arrive $0xFFFF  }
0x6f: {  	[sflag:s0] =	ssyncadd.tile.s32 @!p0 $0x1;
	_ =	shalt  }
.Lfunc_end2:
_tile_overlayer_lowered:
.L_overlay_start_2:
0x70: {  	(tag) =	ssettag $0x2  }
0x71: {  	s0 =	rddreg [dreg:$0x0];
	s2 =	stileid.u32  }
0x72: {  	s1 =	rddreg [dreg:$0x1];
	p0 =	sne.s32 s2, $0x0  }
0x73: {  	s3 =	rddreg [dreg:$0x2];
	[bflag:$0x3] =	sbarrier.arrive $0xFFFF;
	s2 =	simm.s32 @!p0 $0x1C05  }
0x74: {  	[timem:s3], [sflag:s2] =	dma.local @!p0 [hbm:s0], s1  }
0x75: {  	s0 =	simm.s32 @!p0 $0x5  }
0x76: {  	_ =	swait.ge @!p0 [sflag:s0], s1  }
0x77: {  	s1 =	ssub.s32 @!p0 $0x0, s1;
	[sflag:s0] =	ssyncset.done @!p0 $0x0  }
0x78: {  	[sflag:s0] =	ssyncadd.s32 @!p0 s1  }
0x79: {  	[bflag:$0x3] =	sbarrier.arrive $0xFFFF  }
0x7a: {  	_ =	shalt  }

// kernel: kernel.8.cloned.1.call-start
scs
__scs_entry_jumppad:
0x0: {  	(pc) =	sbr.rel $0x88, $3  }
0x1: {  	(tag) =	ssettag $0x0;
	lr =	simm.s32 $0x1  }
0x2: {  	[smem:$0x3F99] =	sst lr;
	_ =	strace $0xD0000000  }
0x3: {  	_ = 	snop  }
0x4: {  	_ = 	snop  }
0x5: {  	_ = 	snop  }
0x6: {  	_ = 	snop  }
0x7: {  	_ = 	snop  }
__scs_overlays_trampoline_lowered:
0x8: {  	[smem:$0x3FA8] =	sst s0  }
0x9: {  	[smem:$0x3FA9] =	sst s1  }
0xa: {  	[smem:$0x3FAA] =	sst s2  }
0xb: {  	[smem:$0x3FAB] =	sst s3  }
0xc: {  	[smem:$0x3FAC] =	sst s4  }
0xd: {  	[smem:$0x3FAD] =	sst s5  }
0xe: {  	[smem:$0x3FAE] =	sst s6  }
0xf: {  	[smem:$0x3FAF] =	sst s7  }
0x10: {  	[smem:$0x3FB0] =	sst s8  }
0x11: {  	[smem:$0x3FB1] =	sst s9;
	s0 =	simm.s32 @!p0 $0x0  }
0x12: {  	s1 =	sld [smem:$0x3F97];
	s0 =	simm.s32 @p0 $0x1  }
0x13: {  	[smem:$0x3FB2] =	sst s0;
	s0 =	simm.s32 @!p1 $0x0  }
0x14: {  	s2 =	sld [smem:$0x3F96];
	s0 =	simm.s32 @p1 $0x1  }
0x15: {  	[smem:$0x3FB3] =	sst s0;
	s0 =	simm.s32 @!p2 $0x0  }
0x16: {  	s3 =	sld [smem:$0x3FDB];
	s0 =	simm.s32 @p2 $0x1  }
0x17: {  	s4 =	simm.s32 $0x1BF5;
	[smem:$0x3FB5] =	sst s0  }
0x18: {  	s0 =	sld [smem:$0x3F98];
	_ =	swait.ge [sflag:s4], $0x0  }
0x19: {  	s7 =	sld [smem:$0x3F99]  }
0x1a: {  	s8 =	sadd.s32 $0xFFFFE003, lr  }
0x1b: {  	s9 =	sadd.s32 $0xFFFFFEF7, lr;
	s5 =	simm.s32 $0xFFFFFFFF;
	p2 =	slt.u32 s8, $0xFFFFF086  }
0x1c: {  	p1 =	slt.u32 s9, $0xF7A;
	s5 =	simm.s32 @!p2 $0x0  }
0x1d: {  	s5 =	simm.s32 @p1 $0x1;
	p0 =	seq.s32 s7, s2  }
0x1e: {  	s7 =	smul.u32 @!p0 $0xF7A, s2;
	p2 =	seq.s32 @!p0 s5, $0x0  }
0x1f: {  	s9 =	smul.u32 $0xF7A, s1;
	s8 =	simm.s32 @!p0 $0x1BF5;
	p2 =	por !p2, p0  }
0x20: {  	[sflag:s8] =	ssyncset.s32 @!p0 $0xFFFFF086;
	s6 =	sadd.s32 @!p0 s3, s7;
	s7 =	simm.s32 @!p0 $0x108  }
0x21: {  	s3 =	sadd.s32 s3, s9;
	s6 =	sadd.s32 @!p0 $0x88, s6;
	s7 =	simm.s32 @p2 $0x1082  }
0x22: {  	[simem:s7], [sflag:s8] =	dma.local @!p0 [hbm:s6], $0xF7A  }
0x23: {  	s9 =	sor.u32 $0xD0000000, s2;
	s6 =	simm.s32 $0x108;
	_ =	swait.ge @!p0 [sflag:s8], $0x0  }
0x24: {  	s3 =	sadd.s32 $0x88, s3;
	s6 =	simm.s32 @!p1 $0x1082;
	[sflag:s4] =	ssyncset.s32 $0xFFFFF086  }
0x25: {  	[simem:s6], [sflag:s4] =	dma.local [hbm:s3], $0xF7A  }
0x26: {  	[smem:$0x3F99] =	sst s1;
	(tag) =	ssettag s2;
	_ =	strace s9  }
0x27: {  	s1 =	sld [smem:$0x3FA9]  }
0x28: {  	s2 =	sld [smem:$0x3FAA]  }
0x29: {  	s4 =	sld [smem:$0x3FAC]  }
0x2a: {  	p0 =	seq.s32 s5, $0x0;
	s5 =	sld [smem:$0x3FAD]  }
0x2b: {  	s6 =	sld [smem:$0x3FAE]  }
0x2c: {  	s7 =	sld [smem:$0x3FAF]  }
0x2d: {  	s3 =	simm.s32 $0x108;
	s8 =	sld [smem:$0x3FB0]  }
0x2e: {  	s3 =	simm.s32 @!p0 $0x1082;
	s9 =	sld [smem:$0x3FB1]  }
0x2f: {  	lr =	sadd.s32 s0, s3;
	s0 =	sld [smem:$0x3FA8]  }
0x30: {  	s3 =	sld [smem:$0x3FAB]  }
0x31: {  	[smem:$0x3FB4] =	sst s10  }
0x32: {  	s10 =	sld [smem:$0x3FB2];
	_ =	sdelay $0x3  }
0x33: {  	p0 =	seq.s32 s10, $0x1;
	s10 =	sld [smem:$0x3FB4];
	_ =	sdelay $0x3  }
0x34: {  	[smem:$0x3FB4] =	sst s10  }
0x35: {  	s10 =	sld [smem:$0x3FB3];
	_ =	sdelay $0x3  }
0x36: {  	p1 =	seq.s32 s10, $0x1;
	s10 =	sld [smem:$0x3FB4];
	_ =	sdelay $0x3  }
0x37: {  	[smem:$0x3FB4] =	sst s10  }
0x38: {  	s10 =	sld [smem:$0x3FB5]  }
0x39: {  	_ = 	snop;
	(pc) =	sbr.ind lr, $3  }
0x3a: {  	_ = 	snop  }
0x3b: {  	_ = 	snop  }
0x3c: {  	p2 =	seq.s32 s10, $0x1;
	s10 =	sld [smem:$0x3FB4]  }
0x3d: {  	_ =	shalt  }
0x3e: {  	_ =	shalt  }
0x3f: {  	_ =	shalt  }
0x40: {  	_ =	shalt  }
0x41: {  	_ =	shalt  }
0x42: {  	_ =	shalt  }
0x43: {  	_ =	shalt  }
0x44: {  	_ =	shalt  }
0x45: {  	_ =	shalt  }
0x46: {  	_ =	shalt  }
0x47: {  	_ =	shalt  }
0x48: {  	_ =	shalt  }
0x49: {  	_ =	shalt  }
0x4a: {  	_ =	shalt  }
0x4b: {  	_ =	shalt  }
0x4c: {  	_ =	shalt  }
0x4d: {  	_ =	shalt  }
0x4e: {  	_ =	shalt  }
0x4f: {  	_ =	shalt  }
0x50: {  	_ =	shalt  }
0x51: {  	_ =	shalt  }
0x52: {  	_ =	shalt  }
0x53: {  	_ =	shalt  }
0x54: {  	_ =	shalt  }
0x55: {  	_ =	shalt  }
0x56: {  	_ =	shalt  }
0x57: {  	_ =	shalt  }
0x58: {  	_ =	shalt  }
0x59: {  	_ =	shalt  }
0x5a: {  	_ =	shalt  }
0x5b: {  	_ =	shalt  }
0x5c: {  	_ =	shalt  }
0x5d: {  	_ =	shalt  }
0x5e: {  	_ =	shalt  }
0x5f: {  	_ =	shalt  }
0x60: {  	_ =	shalt  }
0x61: {  	_ =	shalt  }
0x62: {  	_ =	shalt  }
0x63: {  	_ =	shalt  }
0x64: {  	_ =	shalt  }
0x65: {  	_ =	shalt  }
0x66: {  	_ =	shalt  }
0x67: {  	_ =	shalt  }
0x68: {  	_ =	shalt  }
0x69: {  	_ =	shalt  }
0x6a: {  	_ =	shalt  }
0x6b: {  	_ =	shalt  }
0x6c: {  	_ =	shalt  }
0x6d: {  	_ =	shalt  }
0x6e: {  	_ =	shalt  }
0x6f: {  	_ =	shalt  }
0x70: {  	_ =	shalt  }
0x71: {  	_ =	shalt  }
0x72: {  	_ =	shalt  }
0x73: {  	_ =	shalt  }
0x74: {  	_ =	shalt  }
0x75: {  	_ =	shalt  }
0x76: {  	_ =	shalt  }
0x77: {  	_ =	shalt  }
0x78: {  	_ =	shalt  }
0x79: {  	_ =	shalt  }
0x7a: {  	_ =	shalt  }
0x7b: {  	_ =	shalt  }
0x7c: {  	_ =	shalt  }
0x7d: {  	_ =	shalt  }
0x7e: {  	_ =	shalt  }
0x7f: {  	_ =	shalt  }
0x80: {  	_ =	shalt  }
0x81: {  	_ =	shalt  }
0x82: {  	_ =	shalt  }
0x83: {  	_ =	shalt  }
0x84: {  	_ =	shalt  }
0x85: {  	_ =	shalt  }
0x86: {  	_ =	shalt  }
0x87: {  	_ =	shalt  }
.Lfunc_end0:
.L_simem_size_0:
called_computation_lowered:
.L_overlay_start_0:
0x88: {  	s2 =	sld [smem:$0x3FD9]  }
0x89: {  	s3 =	sld [smem:$0x3FFE];
	_ =	sdelay $0x1  }
0x8a: {  	s1 =	srdreg.scid  }
0x8b: {  	s0 =	sand.u32 $0x1, s1  }
0x8c: {  	s16 =	sshll.u32 s0, $0xA;
	s2 =	sadd.s32 s3, s2  }
0x8d: {  	s2 =	sadd.s32 s2, s16  }
0x8e: {  	[smem:$0x3FC0] =	sst s2  }
0x8f: {  	_ = 	snop  }
0x90: {  	(tm) =	ssettm $0x1  }
0x91: {  	s17 =	sld [smem:$0x3FFB];
	_ =	sdelay $0x3  }
0x92: {  	_ =	strace s17  }
0x93: {  	s2 =	sld [smem:$0x3FFC];
	_ =	sdelay $0x3  }
0x94: {  	_ =	strace s2  }
0x95: {  	s2 =	sld [smem:$0x3FFD];
	_ =	sdelay $0x3  }
0x96: {  	_ =	strace s2  }
0x97: {  	_ =	strace $0x8FFFFFFF  }
0x98: {  	s18 =	sld [smem:$0x3FDB];
	_ =	sdelay $0x1  }
0x99: {  	s19 =	simm.s32 $_scs_section_size  }
0x9a: {  	s4 =	simm.s32 $_size__tile_overlayer_lowered;
	s5 =	simm.s32 $_tile_overlayer_lowered  }
0x9b: {  	s22 =	simm.s32 $0x1BFF;
	s21 =	sshll.u32 s5, $0x1;
	s2 =	sadd.s32 s19, s18  }
0x9c: {  	s6 =	simm.s32 $0x0;
	s20 =	sshll.u32 s4, $0x1;
	s4 =	sadd.s32 s21, s2  }
0x9d: {  	[timem:s6], [sflag:s22] =	dma.local [hbm:s4], s20  }
0x9e: {  	_ =	swait.ge [sflag:s22], s20  }
0x9f: {  	s3 =	ssub.s32 $0x0, s20;
	[sflag:s22] =	ssyncset.done $0x0  }
0xa0: {  	[sflag:s22] =	ssyncadd.s32 s3;
	_ =	sdelay $0x1  }
0xa1: {  	s23 =	simm.s32 $0x1B8B  }
0xa2: {  	_ =	swait.ge [sflag:s23], $0x1  }
0xa3: {  	[sflag:s23] =	ssyncset.done $0x0  }
0xa4: {  	s25 =	simm.s32 $0x1B8E;
	s24 =	sld [smem:$0x3FFE];
	[sflag:s23] =	ssyncadd.s32 $0xFFFFFFFF  }
0xa5: {  	s26 =	simm.s32 $execute0_lowered;
	[smem:$0x3FD2] =	sst s25  }
0xa6: {  	s4 =	sshll.u32 s26, $0x1;
	_ =	strace $0x80000046;
	[dreg:$0x1] =	wrdreg $0xFFFFFFFF  }
0xa7: {  	s28 =	simm.s32 $_size_execute0_lowered;
	s2 =	sadd.s32 s2, s4;
	[dreg:$0x0] =	wrdreg $0x0  }
0xa8: {  	s4 =	sshll.u32 s28, $0x1;
	[dreg:$0x2] =	wrdreg s2  }
0xa9: {  	[dreg:$0x3] =	wrdreg s4  }
0xaa: {  	[dreg:$0x4] =	wrdreg $0xC0  }
0xab: {  	_ =	task [dreg:s6], $0x5FFFF  }
0xac: {  	[dreg:$0x1] =	wrdreg $0xFFFFFFFF  }
0xad: {  	[dreg:$0x0] =	wrdreg $0x60  }
0xae: {  	[dreg:$0x2] =	wrdreg s24  }
0xaf: {  	[dreg:$0x3] =	wrdreg $0x5F800  }
0xb0: {  	[dreg:$0x4] =	wrdreg $0x9  }
0xb1: {  	_ =	task.clear_ibuf [dreg:s6], $0x5FFFF;
	_ =	strace $0x90000046  }
0xb2: {  	s29 =	simm.s32 $0x9;
	_ =	strace $0x80000048  }
0xb3: {  	_ =	swait.ge [sflag:s29], $0x1  }
0xb4: {  	[sflag:s29] =	ssyncadd.s32 $0xFFFFFFFF  }
0xb5: {  	_ =	strace $0x90000048  }
0xb6: {  	_ =	sfence  }
0xb7: {  	s30 =	sld [smem:$0x0];
	_ =	sdelay $0x2  }
0xb8: {  	s31 =	sshll.u32 s1, $0xD;
	s1 =	sshrl.u32 s1, $0x2  }
0xb9: {  	s3 =	sand.u32 $0x4000, s31;
	s1 =	sadd.s32 s1, s30  }
0xba: {  	s0 =	sor.u32 s3, s0;
	s1 =	sshll.u32 s1, $0x11  }
0xbb: {  	s0 =	sor.u32 s1, s0  }
0xbc: {  	s0 =	sadd.s32 $0x8F2B, s0  }
0xbd: {  	[sflag:s0] =	ssyncadd.remote.s32 $0x1  }
0xbe: {  	_ =	sfence.sel $0xFFFF  }
0xbf: {  	[dreg:$0x0] =	wrdreg $0xFFFFFFFF;
	(pc) =	sbr.abs _section_cstart, $3  }
0xc0: {  	[dreg:$0x1] =	wrdreg $0xFFFFFFFF  }
0xc1: {  	_ =	task.clear_ibuf [dreg:s6], $0x2FFFF;
	_ =	strace $0x9FFFFFFF  }
0xc2: {  	(tm) =	ssettm $0x7FFFFFFF  }
0xc3: {  	_ =	shalt  }
tec
execute0_lowered:
.L_overlay_start_1:
0x0: {  	(tag) =	ssettag $0x1  }
0x1: {  	s6 =	rddreg [dreg:$0x0]  }
0x2: {  	s0 =	srdreg.scid;
	s2 =	rddreg [dreg:$0x1];
	s3 =	simm.s32 $0x0  }
0x3: {  	s11 =	simm.s32 $0x70;
	s12 =	simm.s32 $0x2780;
	s13 =	simm.s32 $0x1  }
0x4: {  	s14 =	simm.s32 $0x2;
	s5 =	sand.u32 $0x1, s0;
	s0 =	stileid.u32  }
0x5: {  	s15 =	simm.s32 $0x26F0;
	s16 =	simm.s32 $0x0;
	s7 =	smul.u32 $0x2800, s0  }
0x6: {  	[smem:$0x7FF] =	sst s3;
	s1 =	sshll.u32 s5, $0x4;
	s8 =	smul.u32 $0x28000, s5  }
0x7: {  	s10 =	smul.u32 $0x50000, s0;
	s5 =	ssub.s32 $0x2, s5;
	s1 =	sor.u32 s0, s1  }
0x8: {  	s31 =	sshll.u32 s0, $0x6;
	s29 =	sshrl.u32 s5, $0x1;
	s4 =	smul.u32 $0x4EC, s1  }
0x9: {  	s1 =	rddreg [dreg:$0x2];
	_ =	strace $0x80000047;
	s30 =	sshrl.u32 s10, $0x2  }
0xa: {  	s7 =	sadd.s32 s7, s8;
	s8 =	simm.s32 $0x3;
	s10 =	sadd.s32 s30, s2  }
0xb: {  	s9 =	sadd.s32 s4, s6;
	s4 =	sadd.s32 $0xCA00, s6;
	s6 =	sadd.s32 s7, s6  }
0xc: {  	v0 =	vimm.f32 $0.0e+00;
	vm0 =	vcmask $0x300;
	s7 =	ssub.s32 s5, s29;
	s10 =	sshrl.u32 s10, $0x3;
	s5 =	sadd.s32 $0x2C00, s9  }
0xd: {  	v0 =	vsel vm0, $0x3F800000, v0;
	s6 =	sadd.s32 $0xF200, s6;
	s7 =	smax.u32 s7, $0x1;
	s9 =	sor.u32 $0x1C03, s31  }
.LBB2_1:
0xe: {  	s17 =	simm.s32 $0x200;
	s18 =	simm.s32 $0x0  }
.LBB2_2:
0xf: {  	p0 =	sne.s32 s17, $0xDE00;
	[tilespmem:s18+$0x2780] =	vst v0;
	s18 =	smov.u32 s17;
	s17 =	sadd.s32 $0x200, s17  }
.Ltmp0:
0x10: {  	(pc) =	sbr.rel @p0 .LBB2_2-.Ltmp0, $2  }
0x11: {  	_ =	sdelay $0x2  }
0x12: {  	s18 =	sshra.s32 s18, $0x2  }
0x13: {  	[tilespmem:s18+$0x2780] =	vst v0  }
0x14: {  	[tilespmem:s3], [sflag:$0x3] =	stream.linear.gather [hbm4b:s5+s3], $0x2760, $0x38;
	[tilespmem:$0x8780] =	vst v63  }
0x15: {  	_ =	swait.ge [sflag:s8], $0x2760  }
0x16: {  	[sflag:s8] =	ssyncset.done $0x0  }
0x17: {  	[sflag:s8] =	ssyncadd.s32 $0xFFFFD8A0  }
0x18: {  	[spmem:s10], [sflag:s9] =	dma.local [hbm:s4], $0x2800  }
0x19: {  	_ =	swait.ge [sflag:s8], $0x2800  }
0x1a: {  	[sflag:s8] =	ssyncset.done $0x0  }
0x1b: {  	[sflag:s8] =	ssyncadd.s32 $0xFFFFD800  }
0x1c: {  	[bflag:$0x0] =	sbarrier.arrive $0xFFFF  }
0x1d: {  	[spmem:s2] =	stream.indirect.scatter.add.f32 [tilespmem:s12], [sflag:$0x1], $0x10, s3, s11, $0xb8;
	[tilespmem:$0x8780] =	vst v63  }
0x1e: {  	s17 =	simm.s32 $0x70  }
0x1f: {  	[spmem:s2] =	stream.indirect.scatter.add.f32 [tilespmem:s12], [sflag:$0x2], $0x10, s17, s11, $0xb8;
	[tilespmem:$0x8780] =	vst v63  }
0x20: {  	_ =	swait.ge [sflag:s13], $0x700  }
0x21: {  	[sflag:s13] =	ssyncset.done $0x0  }
0x22: {  	s31 =	simm.s32 $0xE0;
	[sflag:s13] =	ssyncadd.s32 $0xFFFFF900  }
0x23: {  	[spmem:s2] =	stream.indirect.scatter.add.f32 [tilespmem:s12], [sflag:$0x1], $0x10, s31, s11, $0xb8;
	[tilespmem:$0x8780] =	vst v63  }
0x24: {  	_ =	swait.ge [sflag:s14], $0x700  }
0x25: {  	s18 =	simm.s32 $0xFFFF6D00;
	s17 =	simm.s32 $0xFFFFDA60;
	[sflag:s14] =	ssyncset.done $0x0  }
.LBB2_4:
0x26: {  	s19 =	sadd.s32 $0x26F0, s17  }
0x27: {  	[sflag:s14] =	ssyncadd.s32 $0xFFFFF900;
	s20 =	smov.u32 s18;
	s21 =	sadd.s32 $0x380, s18  }
0x28: {  	[spmem:s2] =	stream.indirect.scatter.add.f32 [tilespmem:s12], [sflag:$0x2], $0x10, s19, s11, $0xb8;
	[tilespmem:$0x8780] =	vst v63  }
0x29: {  	p0 =	sne.s32 s18, $0xFFFFFC80;
	_ =	swait.ge [sflag:s13], $0x700  }
.Ltmp1:
0x2a: {  	[sflag:s13] =	ssyncset.done $0x0;
	(pc) =	sbr.rel @p0 .LBB2_4-.Ltmp1, $4  }
0x2b: {  	s17 =	sadd.s32 $0x2760, s17;
	[sflag:s13] =	ssyncadd.s32 $0xFFFFF900  }
0x2c: {  	[spmem:s2] =	stream.indirect.scatter.add.f32 [tilespmem:s12], [sflag:$0x1], $0x10, s17, s11, $0xb8;
	[tilespmem:$0x8780] =	vst v63  }
0x2d: {  	_ =	swait.ge [sflag:s14], $0x700  }
0x2e: {  	s18 =	smov.u32 s21;
	s17 =	sshra.s32 s20, $0x2;
	[sflag:s14] =	ssyncset.done $0x0  }
0x2f: {  	s18 =	sadd.s32 $0x26F0, s17;
	[sflag:s14] =	ssyncadd.s32 $0xFFFFF900  }
0x30: {  	[spmem:s2] =	stream.indirect.scatter.add.f32 [tilespmem:s12], [sflag:$0x2], $0x10, s18, s11, $0xb8;
	[tilespmem:$0x8780] =	vst v63  }
0x31: {  	_ =	swait.ge [sflag:s13], $0x700  }
0x32: {  	[sflag:s13] =	ssyncset.done $0x0  }
0x33: {  	s31 =	sadd.s32 $0x2760, s17;
	[sflag:s13] =	ssyncadd.s32 $0xFFFFF900  }
0x34: {  	[spmem:s2] =	stream.indirect.scatter.add.f32 [tilespmem:s12], [sflag:$0x1], $0x10, s31, s11, $0xb8;
	[tilespmem:$0x8780] =	vst v63  }
0x35: {  	_ =	swait.ge [sflag:s14], $0x700  }
0x36: {  	[sflag:s14] =	ssyncset.done $0x0  }
0x37: {  	[sflag:s14] =	ssyncadd.s32 $0xFFFFF900  }
0x38: {  	[spmem:s2] =	stream.indirect.scatter.add.f32 [tilespmem:s12], [sflag:$0x2], $0x10, s15, s11, $0xb8;
	[tilespmem:$0x8780] =	vst v63  }
0x39: {  	_ =	swait.ge [sflag:s13], $0x700  }
0x3a: {  	[sflag:s13] =	ssyncset.done $0x0  }
0x3b: {  	[sflag:s13] =	ssyncadd.s32 $0xFFFFF900  }
0x3c: {  	_ =	swait.ge [sflag:s14], $0x700  }
0x3d: {  	s16 =	sadd.s32 $0x1, s16;
	[sflag:s14] =	ssyncset.done $0x0  }
0x3e: {  	p0 =	sne.s32 s16, s7;
	[sflag:s14] =	ssyncadd.s32 $0xFFFFF900  }
.Ltmp2:
0x3f: {  	[bflag:$0x0] =	sbarrier.arrive $0xFFFF;
	(pc) =	sbr.rel @p0 .LBB2_1-.Ltmp2, $4  }
0x40: {  	[hbm:s6], [sflag:s9] =	dma.local [spmem:s10], $0x2800  }
0x41: {  	_ =	swait.ge [sflag:s8], $0x2800  }
0x42: {  	[sflag:s8] =	ssyncset.done $0x0  }
0x43: {  	[sflag:s8] =	ssyncadd.s32 $0xFFFFD800  }
0x44: {  	_ =	sfence.sel $0x180000  }
0x45: {  	[bflag:$0x0] =	sbarrier.arrive $0xFFFF  }
0x46: {  	p0 =	sne.s32 s0, $0x0;
	_ =	strace $0x90000047  }
0x47: {  	s0 =	sadd.s32 @!p0 $0x100000, s1;
	[bflag:$0x2] =	sbarrier.arrive $0xFFFF  }
0x48: {  	[sflag:s0] =	ssyncadd.tile.s32 @!p0 $0x1;
	_ =	shalt  }
.Lfunc_end2:
_tile_overlayer_lowered:
.L_overlay_start_2:
0x49: {  	(tag) =	ssettag $0x2  }
0x4a: {  	s0 =	rddreg [dreg:$0x0];
	s2 =	stileid.u32  }
0x4b: {  	s1 =	rddreg [dreg:$0x1];
	p0 =	sne.s32 s2, $0x0  }
0x4c: {  	s3 =	rddreg [dreg:$0x2];
	[bflag:$0x3] =	sbarrier.arrive $0xFFFF;
	s2 =	simm.s32 @!p0 $0x1C03  }
0x4d: {  	[timem:s3], [sflag:s2] =	dma.local @!p0 [hbm:s0], s1  }
0x4e: {  	s0 =	simm.s32 @!p0 $0x3  }
0x4f: {  	_ =	swait.ge @!p0 [sflag:s0], s1  }
0x50: {  	s1 =	ssub.s32 @!p0 $0x0, s1;
	[sflag:s0] =	ssyncset.done @!p0 $0x0  }
0x51: {  	[sflag:s0] =	ssyncadd.s32 @!p0 s1  }
0x52: {  	[bflag:$0x3] =	sbarrier.arrive $0xFFFF  }
0x53: {  	_ =	shalt  }

</sc_bundles>
